<compile_context>
chip_gen: v7x
topology: tpu7x:2x2x1
jax: 0.10.2.dev20260603
libtpu: 0.0.44.dev20260713+nightly
codegen_flags: <defaults>
</compile_context>

<pallas_src>
import functools

import jax
import jax.numpy as jnp
from jax import lax
from jax.experimental import pallas as pl
from jax.experimental.pallas import tpu as pltpu
from jax.experimental.pallas import tpu_sc as plsc

N = 10000
K = 32
NK = N * K
D = 256
R = 80
SC_CHUNK = 80

BF = jnp.bfloat16
F32 = jnp.float32


def _dot(a, b):
    return jnp.dot(a, b, preferred_element_type=F32)


def _pack_bf16(p):
    pb = p.astype(BF)
    a = lax.bitcast_convert_type(pb[:, :128], jnp.uint16)
    b = lax.bitcast_convert_type(pb[:, 128:], jnp.uint16)
    return lax.bitcast_convert_type(jnp.stack([a, b], axis=-1), jnp.int32)


def _unpack_bf16(w):
    lo = lax.bitcast_convert_type(jnp.left_shift(w, 16), F32)
    hi = lax.bitcast_convert_type(jnp.bitwise_and(w, jnp.int32(-65536)), F32)
    return jnp.concatenate([lo, hi], axis=1)


def _sc_info():
    try:
        return plsc.get_sparse_core_info()
    except Exception:
        import collections
        return collections.namedtuple(
            "Info", "num_cores num_subcores num_lanes dma_granule_size_bytes"
        )(2, 16, 16, 64)


_INFO = _sc_info()
_NW = _INFO.num_cores * _INFO.num_subcores


def _sc_mesh():
    return plsc.VectorSubcoreMesh(core_axis_name="c", subcore_axis_name="s")


GCH = 40


def _sc_gather(table, idx3):
    nw, steps, ch = idx3.shape
    B = nw * steps * ch
    DW = table.shape[1]
    b_per_w = B // _NW
    pairs = steps // 2

    @functools.partial(
        pl.kernel,
        out_type=jax.ShapeDtypeStruct((B, DW), table.dtype),
        mesh=_sc_mesh(),
        scratch_types=[
            pltpu.VMEM((steps, ch), jnp.int32),
            pltpu.VMEM((ch, DW), table.dtype),
            pltpu.VMEM((ch, DW), table.dtype),
            pltpu.SemaphoreType.DMA,
            pltpu.SemaphoreType.DMA,
            pltpu.SemaphoreType.DMA,
            pltpu.SemaphoreType.DMA,
        ],
    )
    def gather_kernel(table_hbm, idx_hbm, out_hbm,
                      idx2, rows0, rows1, sg0, sg1, sw0, sw1):
        wid = lax.axis_index("s") * _INFO.num_cores + lax.axis_index("c")
        base = wid * b_per_w
        pltpu.sync_copy(idx_hbm.at[wid], idx2)

        def wb_wait(rows, sem):
            pltpu.make_async_copy(rows, out_hbm.at[pl.ds(base, ch)], sem).wait()

        def body(u, carry):
            t0 = 2 * u
            t1 = t0 + 1

            @pl.when(u > 0)
            def _w0():
                wb_wait(rows0, sw0)

            pltpu.async_copy(table_hbm.at[idx2.at[t0]], rows0, sg0).wait()
            pltpu.async_copy(rows0, out_hbm.at[pl.ds(base + t0 * ch, ch)], sw0)

            @pl.when(u > 0)
            def _w1():
                wb_wait(rows1, sw1)

            pltpu.async_copy(table_hbm.at[idx2.at[t1]], rows1, sg1).wait()
            pltpu.async_copy(rows1, out_hbm.at[pl.ds(base + t1 * ch, ch)], sw1)
            return carry

        lax.fori_loop(0, pairs, body, 0)
        wb_wait(rows0, sw0)
        wb_wait(rows1, sw1)

    return gather_kernel(table, idx3)


def _sc_segsum(vals, idx, zeros):
    B = vals.shape[0]
    b_per_w = B // _NW
    steps = b_per_w // SC_CHUNK

    @functools.partial(
        pl.kernel,
        out_type=jax.ShapeDtypeStruct((_INFO.num_cores, N), F32),
        mesh=_sc_mesh(),
        scratch_types=[
            pltpu.VMEM((SC_CHUNK,), jnp.int32),
            pltpu.VMEM((SC_CHUNK,), F32),
            pltpu.VMEM_SHARED((N,), F32),
        ],
    )
    def segsum_kernel(vals_hbm, idx_hbm, zeros_hbm, out_hbm, idx_v, val_v, acc_s):
        cid = lax.axis_index("c")
        sid = lax.axis_index("s")
        wid = sid * _INFO.num_cores + cid
        base = wid * b_per_w

        @pl.when(sid == 0)
        def _init():
            pltpu.sync_copy(zeros_hbm, acc_s)

        plsc.subcore_barrier()

        def body(t, carry):
            off = base + t * SC_CHUNK
            pltpu.sync_copy(idx_hbm.at[pl.ds(off, SC_CHUNK)], idx_v)
            pltpu.sync_copy(vals_hbm.at[pl.ds(off, SC_CHUNK)], val_v)
            pltpu.sync_copy(val_v, acc_s.at[idx_v], add=True)
            return carry

        lax.fori_loop(0, steps, body, 0)
        plsc.subcore_barrier()

        @pl.when(sid == 0)
        def _out():
            pltpu.sync_copy(acc_s, out_hbm.at[cid])

    return segsum_kernel(vals, idx, zeros)


def _pass1_body(edges_ref, g0_ref, pout_ref, oneh_ref,
                ew0_ref, eb0_ref, ew1_ref, eb1_ref,
                w0e_ref, c0_ref, w01_ref, b01_ref, w02_ref, b02_ref,
                w1e_ref, w1row_ref,
                e0_ref, z1_ref):
    x = edges_ref[...]
    a = jnp.maximum(_dot(x, ew0_ref[...]) + eb0_ref[...], 0.0)
    enc = jnp.maximum(_dot(a.astype(BF), ew1_ref[...]) + eb1_ref[...], 0.0)
    encb = enc.astype(BF)
    poutb = _dot(oneh_ref[...], pout_ref[...].astype(BF))
    h = jnp.maximum(
        _dot(encb, w0e_ref[...]) + _unpack_bf16(g0_ref[...]) + poutb + c0_ref[...],
        0.0)
    h2 = jnp.maximum(_dot(h.astype(BF), w01_ref[...]) + b01_ref[...], 0.0)
    e0 = _dot(h2.astype(BF), w02_ref[...]) + b02_ref[...]
    e0_ref[...] = e0
    z1_ref[...] = (_dot(encb, w1e_ref[...]) + e0 * w1row_ref[...]).astype(BF)


def _pass2_body(z1_ref, g1_ref, pout_ref, oneh_ref,
                c1_ref, w11_ref, b11_ref, w12_ref, b12_ref,
                e1_ref):
    poutb = _dot(oneh_ref[...], pout_ref[...].astype(BF))
    h = jnp.maximum(
        z1_ref[...].astype(F32) + _unpack_bf16(g1_ref[...]) + poutb
        + c1_ref[...],
        0.0)
    h2 = jnp.maximum(_dot(h.astype(BF), w11_ref[...]) + b11_ref[...], 0.0)
    e1_ref[...] = _dot(h2.astype(BF), w12_ref[...]) + b12_ref[...]


def _row2(v):
    return v.reshape(1, -1)


def _full(a):
    return pl.BlockSpec(a.shape, lambda i: (0,) * a.ndim)


def _edge_blk(width):
    return pl.BlockSpec((R * K, width), lambda i: (i, 0))


def _node_blk(width):
    return pl.BlockSpec((R, width), lambda i: (i, 0))


def _run_pass1(edges_flat, G0, P0_out, oneh, consts):
    grid = (N // R,)
    in_specs = ([_edge_blk(16), _edge_blk(128), _node_blk(D), _full(oneh)]
                + [_full(c) for c in consts])
    out_specs = [_edge_blk(1), _edge_blk(D)]
    out_shapes = [jax.ShapeDtypeStruct((NK, 1), F32),
                  jax.ShapeDtypeStruct((NK, D), BF)]
    return pl.pallas_call(
        _pass1_body, grid=grid,
        in_specs=in_specs, out_specs=out_specs, out_shape=out_shapes,
    )(edges_flat, G0, P0_out, oneh, *consts)


def _run_pass2(z1, G1, P1_out, oneh, consts):
    grid = (N // R,)
    in_specs = ([_edge_blk(D), _edge_blk(128), _node_blk(D),
                 _full(oneh)] + [_full(c) for c in consts])
    return pl.pallas_call(
        _pass2_body, grid=grid,
        in_specs=in_specs, out_specs=_edge_blk(1),
        out_shape=jax.ShapeDtypeStruct((NK, 1), F32),
    )(z1, G1, P1_out, oneh, *consts)


def kernel(nodes, edges, global_feats, edge_idx,
           enc_W0, enc_b0, enc_W1, enc_b1,
           p0_W0, p0_b0, p0_W1, p0_b1, p0_W2, p0_b2,
           p1_W0, p1_b0, p1_W1, p1_b1, p1_W2, p1_b2):
    g = global_feats
    flat_idx = edge_idx.reshape(-1)
    idx3 = flat_idx.reshape(_NW, NK // _NW // GCH, GCH)
    edges_flat = edges.reshape(NK, 16).astype(BF)
    zeros_n = jnp.zeros((N,), F32)
    oneh = (lax.broadcasted_iota(jnp.int32, (R * K, R), 0) // K
            == lax.broadcasted_iota(jnp.int32, (R * K, R), 1)).astype(BF)

    in_g0 = jnp.concatenate([g, g])
    W0e = p0_W0[0:D] + p0_W0[D:2 * D]
    W0in = p0_W0[512:640] + p0_W0[640:768]
    W0out = p0_W0[768:896] + p0_W0[896:1024]
    c0 = in_g0 @ p0_W0[1024:1040] + p0_b0
    P0_in = nodes @ W0in
    P0_out = nodes @ W0out

    w1row = p1_W0[0]
    W1e = p1_W0[1:257]
    W1in = p1_W0[257:659]
    W1out = p1_W0[659:1061]
    W1g = p1_W0[1061:1360]

    def _proj1(W):
        Wn = W[0:128] + W[128:256] + W[274:402]
        base = nodes @ Wn + in_g0 @ W[258:274]
        return base, W[256], W[257]

    P1in_base, w1in_inc, w1in_out = _proj1(W1in)
    P1out_base, w1out_inc, w1out_out = _proj1(W1out)

    G0 = _sc_gather(_pack_bf16(P0_in), idx3)

    consts1 = [enc_W0.astype(BF), _row2(enc_b0), enc_W1.astype(BF), _row2(enc_b1),
               W0e.astype(BF), _row2(c0), p0_W1.astype(BF), _row2(p0_b1),
               p0_W2.astype(BF), _row2(p0_b2),
               W1e.astype(BF), _row2(w1row)]
    e0_flat, z1 = _run_pass1(edges_flat, G0, P0_out, oneh, consts1)

    e0 = e0_flat.reshape(N, K)
    out_e0 = jnp.sum(e0, axis=1, keepdims=True)
    inc_parts = _sc_segsum(e0_flat.reshape(NK), flat_idx, zeros_n)
    inc_e0 = (inc_parts[0] + inc_parts[1])[:, None]
    in_nodes0 = jnp.concatenate([nodes, nodes], axis=1)
    g0b = jnp.broadcast_to(in_g0, (N, 16))
    nodes0 = jnp.concatenate([in_nodes0, inc_e0, out_e0, g0b], axis=1)
    g0 = jnp.concatenate([jnp.sum(nodes0, axis=0), jnp.sum(e0_flat[:, 0])[None], in_g0])
    in_g1 = jnp.concatenate([g0, g])

    P1_in = P1in_base + inc_e0 * w1in_inc + out_e0 * w1in_out
    P1_out = P1out_base + inc_e0 * w1out_inc + out_e0 * w1out_out
    c1 = in_g1 @ W1g + p1_b0

    G1 = _sc_gather(_pack_bf16(P1_in), idx3)
    consts2 = [_row2(c1), p1_W1.astype(BF), _row2(p1_b1),
               p1_W2.astype(BF), _row2(p1_b2)]
    e1_flat = _run_pass2(z1, G1, P1_out, oneh, consts2)

    e1 = e1_flat.reshape(N, K)
    out_e1 = jnp.sum(e1, axis=1, keepdims=True)
    inc_parts1 = _sc_segsum(e1_flat.reshape(NK), flat_idx, zeros_n)
    inc_e1 = (inc_parts1[0] + inc_parts1[1])[:, None]
    in_nodes1 = jnp.concatenate([nodes0, nodes], axis=1)
    g1b = jnp.broadcast_to(in_g1, (N, 299))
    nodes1 = jnp.concatenate([in_nodes1, inc_e1, out_e1, g1b], axis=1)
    g1 = jnp.concatenate([jnp.sum(nodes1, axis=0), jnp.sum(e1_flat[:, 0])[None], in_g1])

    out_edges = e1_flat.reshape(N, K, 1)
    return (nodes1, out_edges, g1, out_edges)

# --- scband reference (transcript-rebuilt; emitter-appended) ---
"""Pipeline reference for scband-my-graph-net-encoder-46145128628327 (READ-ONLY COPY).

The authoritative reference and input builder live on the scoring server;
editing this copy changes nothing except your own understanding.
"""

import jax, jax.numpy as jnp
import numpy as np

N = 10000
K = 32
D_NODE = 128
D_EDGE = 16
D_GLOBAL = 8
H = 256
N_REC = 2
TRUNC = 0.87962566103423978


def _vs_init(key, shape, fan_in):
    std = np.sqrt(1.0 / fan_in) / TRUNC
    return std * jax.random.truncated_normal(key, -2.0, 2.0, shape, dtype=jnp.float32)


def setup_inputs(seed: int = 0):
    key = jax.random.key(seed)
    ks = jax.random.split(key, 32)
    inp = {}
    inp['nodes'] = jax.random.normal(ks[0], (N, D_NODE), dtype=jnp.float32)
    inp['edges'] = jax.random.normal(ks[1], (N, K, D_EDGE), dtype=jnp.float32)
    inp['global_feats'] = jax.random.normal(ks[2], (D_GLOBAL,), dtype=jnp.float32)
    inp['edge_idx'] = jax.random.randint(ks[3], (N, K), 0, N, dtype=jnp.int32)
    # edge encoder MLP: D_EDGE -> H -> H (activate_final=True)
    inp['enc_W0'] = _vs_init(ks[4], (D_EDGE, H), D_EDGE)
    inp['enc_b0'] = _vs_init(ks[5], (H,), H)
    inp['enc_W1'] = _vs_init(ks[6], (H, H), H)
    inp['enc_b1'] = _vs_init(ks[7], (H,), H)
    # recurrence 0 edge MLP: concat(edges 2H, incoming 2*D_NODE, outgoing 2*D_NODE, globals 2*D_GLOBAL) -> H -> H -> 1
    d_in0 = 2 * H + 2 * (2 * D_NODE) + 2 * D_GLOBAL  # 1040
    inp['p0_W0'] = _vs_init(ks[8], (d_in0, H), d_in0)
    inp['p0_b0'] = _vs_init(ks[9], (H,), H)
    inp['p0_W1'] = _vs_init(ks[10], (H, H), H)
    inp['p0_b1'] = _vs_init(ks[11], (H,), H)
    inp['p0_W2'] = _vs_init(ks[12], (H, 1), H)
    inp['p0_b2'] = _vs_init(ks[13], (1,), 1)
    # recurrence 1 edge MLP
    dn0 = 2 * D_NODE + 1 + 1 + 2 * D_GLOBAL  # node dim after rec0 = 274
    dg0 = dn0 + 1 + 2 * D_GLOBAL             # global dim after rec0 = 291
    d_in1 = (1 + H) + 2 * (dn0 + D_NODE) + (dg0 + D_GLOBAL)  # 1360
    inp['p1_W0'] = _vs_init(ks[14], (d_in1, H), d_in1)
    inp['p1_b0'] = _vs_init(ks[15], (H,), H)
    inp['p1_W1'] = _vs_init(ks[16], (H, H), H)
    inp['p1_b1'] = _vs_init(ks[17], (H,), H)
    inp['p1_W2'] = _vs_init(ks[18], (H, 1), H)
    inp['p1_b2'] = _vs_init(ks[19], (1,), 1)
    return inp


def _mlp(x, Ws, bs, activate_final):
    n = len(Ws)
    for i in range(n):
        x = x @ Ws[i] + bs[i]
        if i < n - 1 or activate_final:
            x = jax.nn.relu(x)
    return x


def _gn_step(nodes, edges, g, edge_idx, Ws, bs):
    n = nodes.shape[0]
    mask = edge_idx < n
    incoming_nodes = nodes[edge_idx]                                   # [N,K,dn] gather
    outgoing_nodes = jnp.broadcast_to(nodes[:, None, :], incoming_nodes.shape)
    g_e = jnp.broadcast_to(g, edges.shape[:2] + (g.shape[-1],))
    edge_in = jnp.concatenate([edges, incoming_nodes, outgoing_nodes, g_e], axis=-1)
    new_edges = _mlp(edge_in, Ws, bs, False)
    new_edges = jnp.where(mask[..., None], new_edges, 0.0)
    # node update (identity node_fn -> concat of aggregated features)
    flat_edges = new_edges.reshape(-1, new_edges.shape[-1])
    flat_idx = edge_idx.reshape(-1)
    incoming_edges = jax.ops.segment_sum(flat_edges, flat_idx, num_segments=n)
    outgoing_edges = jnp.sum(new_edges, axis=1)
    g_n = jnp.broadcast_to(g, (n, g.shape[-1]))
    new_nodes = jnp.concatenate([nodes, incoming_edges, outgoing_edges, g_n], axis=-1)
    # global update (identity global_fn -> concat of pooled features)
    new_g = jnp.concatenate([jnp.sum(new_nodes, axis=0), jnp.sum(new_edges, axis=(0, 1)), g], axis=-1)
    return new_nodes, new_edges, new_g


def _forward(nodes, edges, g, edge_idx, enc_Ws, enc_bs, prop_Ws, prop_bs):
    enc_edges = _mlp(edges, enc_Ws, enc_bs, True)
    enc = (nodes, enc_edges, g)
    out = enc
    for r in range(N_REC):
        in_nodes = jnp.concatenate([out[0], enc[0]], axis=-1)
        in_edges = jnp.concatenate([out[1], enc[1]], axis=-1)
        in_g = jnp.concatenate([out[2], enc[2]], axis=-1)
        out = _gn_step(in_nodes, in_edges, in_g, edge_idx, prop_Ws[r], prop_bs[r])
    return out


def reference(nodes, edges, global_feats, edge_idx, enc_W0, enc_b0, enc_W1, enc_b1, p0_W0, p0_b0, p0_W1, p0_b1, p0_W2, p0_b2, p1_W0, p1_b0, p1_W1, p1_b1, p1_W2, p1_b2):
    enc_Ws = [enc_W0, enc_W1]
    enc_bs = [enc_b0, enc_b1]
    prop_Ws = [[p0_W0, p0_W1, p0_W2], [p1_W0, p1_W1, p1_W2]]
    prop_bs = [[p0_b0, p0_b1, p0_b2], [p1_b0, p1_b1, p1_b2]]
    out_nodes, out_edges, out_g = _forward(nodes, edges, global_feats, edge_idx, enc_Ws, enc_bs, prop_Ws, prop_bs)
    # original module returns (outputs, outputs.edges)
    return (out_nodes, out_edges, out_g, out_edges)

if __name__ == "__main__":
    import jax
    _d = setup_inputs()
    print(jax.jit(kernel)(*tuple(_d.values())))

</pallas_src>

<mosaic_0001>
#map = affine_map<(d0, d1) -> (0)>
#map1 = affine_map<(d0, d1) -> (0, 0)>
module attributes {stable_mosaic.version = 14 : i64} {
  func.func @segsum_kernel(%arg0: i32, %arg1: i32, %arg2: memref<320000xf32, #tpu.memory_space<hbm>>, %arg3: memref<320000xi32, #tpu.memory_space<hbm>>, %arg4: memref<10000xf32, #tpu.memory_space<hbm>>, %arg5: memref<2x10000xf32, #tpu.memory_space<hbm>>, %arg6: memref<80xi32, #tpu.memory_space<vmem>>, %arg7: memref<80xf32, #tpu.memory_space<vmem>>, %arg8: memref<10000xf32, #tpu.memory_space<vmem_shared>>) attributes {dimension_semantics = [#tpu.dimension_semantics<core_parallel>, #tpu.dimension_semantics<subcore_parallel>], iteration_bounds = array<i64: 2, 16>, scalar_prefetch = 0 : i64, scratch_operands = 3 : i64, tpu.core_type = #tpu.core_type<sc_vector_subcore>, window_params = [{transform_indices = #map}, {transform_indices = #map}, {transform_indices = #map}, {transform_indices = #map1}]} {
    %mul3A = arith.constant 2 : i32
    %mul3A_0 = arith.muli %arg1, %mul3A : i32
    %add3A = arith.addi %mul3A_0, %arg0 : i32
    %mul3A_1 = arith.constant 10000 : i32
    %mul3A_2 = arith.muli %add3A, %mul3A_1 : i32
    %eq3A = arith.constant 0 : i32
    %eq3A_3 = arith.cmpi eq, %arg1, %eq3A : i32
    %convert_element_type3A = arith.extui %eq3A_3 : i1 to i32
    %cond3A = arith.constant 0 : i32
    %cond3A_4 = arith.cmpi ne, %convert_element_type3A, %cond3A : i32
    scf.if %cond3A_4 {
      "tpu.region"() ({
        %run_scoped3A = tpu.sem_alloc : memref<!tpu.dma_semaphore, #tpu.memory_space<semaphore_mem>>
        tpu.enqueue_dma source(%arg4 : memref<10000xf32, #tpu.memory_space<hbm>>) target(%arg8 : memref<10000xf32, #tpu.memory_space<vmem_shared>>) target_semaphore(%run_scoped3A : memref<!tpu.dma_semaphore, #tpu.memory_space<semaphore_mem>>)
        tpu.wait_dma2 semaphore(%run_scoped3A : memref<!tpu.dma_semaphore, #tpu.memory_space<semaphore_mem>>) src(%arg4 : memref<10000xf32, #tpu.memory_space<hbm>>) dst(%arg8 : memref<10000xf32, #tpu.memory_space<vmem_shared>>)
        tpu.yield
      }) : () -> ()
    } else {
    }
    %barrier3A = arith.constant 0 : index
    tpu.barrier barrier_id(%barrier3A)
    %scan3A = arith.constant 0 : i32
    %scan3A_5 = arith.constant 0 : i32
    %scan3A_6 = arith.constant 125 : i32
    %scan3A_7 = arith.addi %scan3A_5, %scan3A_6 : i32
    %scan3A_8 = arith.constant 1 : i32
    scf.for %scan3A_16 = %scan3A_5 to %scan3A_7 step %scan3A_8  : i32 {
      %mul3A_17 = arith.constant 80 : i32
      %mul3A_18 = arith.muli %scan3A_16, %mul3A_17 : i32
      %add3A_19 = arith.addi %mul3A_2, %mul3A_18 : i32
      "tpu.region"() ({
        %run_scoped3A = tpu.sem_alloc : memref<!tpu.dma_semaphore, #tpu.memory_space<semaphore_mem>>
        %dma_start3A = tpu.memref_slice %arg3[%add3A_19] : memref<320000xi32, #tpu.memory_space<hbm>> -> memref<80xi32, #tpu.memory_space<hbm>>
        %dma_start3A_20 = tpu.memref_slice %arg3[%add3A_19] : memref<320000xi32, #tpu.memory_space<hbm>> -> memref<80xi32, #tpu.memory_space<hbm>>
        tpu.enqueue_dma source(%dma_start3A_20 : memref<80xi32, #tpu.memory_space<hbm>>) target(%arg6 : memref<80xi32, #tpu.memory_space<vmem>>) target_semaphore(%run_scoped3A : memref<!tpu.dma_semaphore, #tpu.memory_space<semaphore_mem>>)
        %dma_wait3A = tpu.memref_slice %arg3[%add3A_19] : memref<320000xi32, #tpu.memory_space<hbm>> -> memref<80xi32, #tpu.memory_space<hbm>>
        %dma_wait3A_21 = tpu.memref_slice %arg3[%add3A_19] : memref<320000xi32, #tpu.memory_space<hbm>> -> memref<80xi32, #tpu.memory_space<hbm>>
        tpu.wait_dma2 semaphore(%run_scoped3A : memref<!tpu.dma_semaphore, #tpu.memory_space<semaphore_mem>>) src(%dma_wait3A_21 : memref<80xi32, #tpu.memory_space<hbm>>) dst(%arg6 : memref<80xi32, #tpu.memory_space<vmem>>)
        tpu.yield
      }) : () -> ()
      "tpu.region"() ({
        %run_scoped3A = tpu.sem_alloc : memref<!tpu.dma_semaphore, #tpu.memory_space<semaphore_mem>>
        %dma_start3A = tpu.memref_slice %arg2[%add3A_19] : memref<320000xf32, #tpu.memory_space<hbm>> -> memref<80xf32, #tpu.memory_space<hbm>>
        %dma_start3A_20 = tpu.memref_slice %arg2[%add3A_19] : memref<320000xf32, #tpu.memory_space<hbm>> -> memref<80xf32, #tpu.memory_space<hbm>>
        tpu.enqueue_dma source(%dma_start3A_20 : memref<80xf32, #tpu.memory_space<hbm>>) target(%arg7 : memref<80xf32, #tpu.memory_space<vmem>>) target_semaphore(%run_scoped3A : memref<!tpu.dma_semaphore, #tpu.memory_space<semaphore_mem>>)
        %dma_wait3A = tpu.memref_slice %arg2[%add3A_19] : memref<320000xf32, #tpu.memory_space<hbm>> -> memref<80xf32, #tpu.memory_space<hbm>>
        %dma_wait3A_21 = tpu.memref_slice %arg2[%add3A_19] : memref<320000xf32, #tpu.memory_space<hbm>> -> memref<80xf32, #tpu.memory_space<hbm>>
        tpu.wait_dma2 semaphore(%run_scoped3A : memref<!tpu.dma_semaphore, #tpu.memory_space<semaphore_mem>>) src(%dma_wait3A_21 : memref<80xf32, #tpu.memory_space<hbm>>) dst(%arg7 : memref<80xf32, #tpu.memory_space<vmem>>)
        tpu.yield
      }) : () -> ()
      "tpu.region"() ({
        %run_scoped3A = tpu.sem_alloc : memref<!tpu.dma_semaphore, #tpu.memory_space<semaphore_mem>>
        %dma_start3A = arith.constant 0 : i32
        %dma_start3A_20 = tpu.memref_slice %arg8[%dma_start3A] : memref<10000xf32, #tpu.memory_space<vmem_shared>> -> memref<10000xf32, #tpu.memory_space<vmem_shared>>
        tpu.enqueue_indirect_dma source(%arg7 : memref<80xf32, #tpu.memory_space<vmem>>) target(%dma_start3A_20 : memref<10000xf32, #tpu.memory_space<vmem_shared>>) offsets(%arg6 : memref<80xi32, #tpu.memory_space<vmem>>) semaphore(%run_scoped3A : memref<!tpu.dma_semaphore, #tpu.memory_space<semaphore_mem>>) {add = true}
        %dma_wait3A = arith.constant 0 : i32
        %dma_wait3A_21 = tpu.memref_slice %arg8[%dma_wait3A] : memref<10000xf32, #tpu.memory_space<vmem_shared>> -> memref<10000xf32, #tpu.memory_space<vmem_shared>>
        tpu.wait_indirect_dma semaphore(%run_scoped3A : memref<!tpu.dma_semaphore, #tpu.memory_space<semaphore_mem>>) src(%arg7 : memref<80xf32, #tpu.memory_space<vmem>>) dst(%dma_wait3A_21 : memref<10000xf32, #tpu.memory_space<vmem_shared>>)
        tpu.yield
      }) : () -> ()
    }
    %scan3A_9 = arith.constant 125 : i32
    %barrier3A_10 = arith.constant 0 : index
    tpu.barrier barrier_id(%barrier3A_10)
    %eq3A_11 = arith.constant 0 : i32
    %eq3A_12 = arith.cmpi eq, %arg1, %eq3A_11 : i32
    %convert_element_type3A_13 = arith.extui %eq3A_12 : i1 to i32
    %cond3A_14 = arith.constant 0 : i32
    %cond3A_15 = arith.cmpi ne, %convert_element_type3A_13, %cond3A_14 : i32
    scf.if %cond3A_15 {
      "tpu.region"() ({
        %run_scoped3A = tpu.sem_alloc : memref<!tpu.dma_semaphore, #tpu.memory_space<semaphore_mem>>
        %dma_start3A = arith.constant 0 : i32
        %dma_start3A_16 = tpu.memref_slice %arg5[%arg0, %dma_start3A] : memref<2x10000xf32, #tpu.memory_space<hbm>> -> memref<1x10000xf32, #tpu.memory_space<hbm>>
        %dma_start3A_17 = tpu.memref_squeeze %dma_start3A_16 : memref<1x10000xf32, #tpu.memory_space<hbm>> -> memref<10000xf32, #tpu.memory_space<hbm>>
        tpu.enqueue_dma source(%arg8 : memref<10000xf32, #tpu.memory_space<vmem_shared>>) target(%dma_start3A_17 : memref<10000xf32, #tpu.memory_space<hbm>>) target_semaphore(%run_scoped3A : memref<!tpu.dma_semaphore, #tpu.memory_space<semaphore_mem>>)
        %dma_wait3A = arith.constant 0 : i32
        %dma_wait3A_18 = tpu.memref_slice %arg5[%arg0, %dma_wait3A] : memref<2x10000xf32, #tpu.memory_space<hbm>> -> memref<1x10000xf32, #tpu.memory_space<hbm>>
        %dma_wait3A_19 = tpu.memref_squeeze %dma_wait3A_18 : memref<1x10000xf32, #tpu.memory_space<hbm>> -> memref<10000xf32, #tpu.memory_space<hbm>>
        tpu.wait_dma2 semaphore(%run_scoped3A : memref<!tpu.dma_semaphore, #tpu.memory_space<semaphore_mem>>) src(%arg8 : memref<10000xf32, #tpu.memory_space<vmem_shared>>) dst(%dma_wait3A_19 : memref<10000xf32, #tpu.memory_space<hbm>>)
        tpu.yield
      }) : () -> ()
    } else {
    }
    return
  }
}

#map = affine_map<(d0, d1) -> (0)>
#map1 = affine_map<(d0, d1) -> (0, 0)>
module attributes {stable_mosaic.version = 14 : i64} {
  func.func @segsum_kernel(%arg0: i32, %arg1: i32, %arg2: memref<320000xf32, #tpu.memory_space<hbm>>, %arg3: memref<320000xi32, #tpu.memory_space<hbm>>, %arg4: memref<10000xf32, #tpu.memory_space<hbm>>, %arg5: memref<2x10000xf32, #tpu.memory_space<hbm>>, %arg6: memref<80xi32, #tpu.memory_space<vmem>>, %arg7: memref<80xf32, #tpu.memory_space<vmem>>, %arg8: memref<10000xf32, #tpu.memory_space<vmem_shared>>) attributes {dimension_semantics = [#tpu.dimension_semantics<core_parallel>, #tpu.dimension_semantics<subcore_parallel>], iteration_bounds = array<i64: 2, 16>, scalar_prefetch = 0 : i64, scratch_operands = 3 : i64, tpu.core_type = #tpu.core_type<sc_vector_subcore>, window_params = [{transform_indices = #map}, {transform_indices = #map}, {transform_indices = #map}, {transform_indices = #map1}]} {
    %mul3A = arith.constant 2 : i32
    %mul3A_0 = arith.muli %arg1, %mul3A : i32
    %add3A = arith.addi %mul3A_0, %arg0 : i32
    %mul3A_1 = arith.constant 10000 : i32
    %mul3A_2 = arith.muli %add3A, %mul3A_1 : i32
    %eq3A = arith.constant 0 : i32
    %eq3A_3 = arith.cmpi eq, %arg1, %eq3A : i32
    %convert_element_type3A = arith.extui %eq3A_3 : i1 to i32
    %cond3A = arith.constant 0 : i32
    %cond3A_4 = arith.cmpi ne, %convert_element_type3A, %cond3A : i32
    scf.if %cond3A_4 {
      "tpu.region"() ({
        %run_scoped3A = tpu.sem_alloc : memref<!tpu.dma_semaphore, #tpu.memory_space<semaphore_mem>>
        tpu.enqueue_dma source(%arg4 : memref<10000xf32, #tpu.memory_space<hbm>>) target(%arg8 : memref<10000xf32, #tpu.memory_space<vmem_shared>>) target_semaphore(%run_scoped3A : memref<!tpu.dma_semaphore, #tpu.memory_space<semaphore_mem>>)
        tpu.wait_dma2 semaphore(%run_scoped3A : memref<!tpu.dma_semaphore, #tpu.memory_space<semaphore_mem>>) src(%arg4 : memref<10000xf32, #tpu.memory_space<hbm>>) dst(%arg8 : memref<10000xf32, #tpu.memory_space<vmem_shared>>)
        tpu.yield
      }) : () -> ()
    } else {
    }
    %barrier3A = arith.constant 0 : index
    tpu.barrier barrier_id(%barrier3A)
    %scan3A = arith.constant 0 : i32
    %scan3A_5 = arith.constant 0 : i32
    %scan3A_6 = arith.constant 125 : i32
    %scan3A_7 = arith.addi %scan3A_5, %scan3A_6 : i32
    %scan3A_8 = arith.constant 1 : i32
    scf.for %scan3A_16 = %scan3A_5 to %scan3A_7 step %scan3A_8  : i32 {
      %mul3A_17 = arith.constant 80 : i32
      %mul3A_18 = arith.muli %scan3A_16, %mul3A_17 : i32
      %add3A_19 = arith.addi %mul3A_2, %mul3A_18 : i32
      "tpu.region"() ({
        %run_scoped3A = tpu.sem_alloc : memref<!tpu.dma_semaphore, #tpu.memory_space<semaphore_mem>>
        %dma_start3A = tpu.memref_slice %arg3[%add3A_19] : memref<320000xi32, #tpu.memory_space<hbm>> -> memref<80xi32, #tpu.memory_space<hbm>>
        %dma_start3A_20 = tpu.memref_slice %arg3[%add3A_19] : memref<320000xi32, #tpu.memory_space<hbm>> -> memref<80xi32, #tpu.memory_space<hbm>>
        tpu.enqueue_dma source(%dma_start3A_20 : memref<80xi32, #tpu.memory_space<hbm>>) target(%arg6 : memref<80xi32, #tpu.memory_space<vmem>>) target_semaphore(%run_scoped3A : memref<!tpu.dma_semaphore, #tpu.memory_space<semaphore_mem>>)
        %dma_wait3A = tpu.memref_slice %arg3[%add3A_19] : memref<320000xi32, #tpu.memory_space<hbm>> -> memref<80xi32, #tpu.memory_space<hbm>>
        %dma_wait3A_21 = tpu.memref_slice %arg3[%add3A_19] : memref<320000xi32, #tpu.memory_space<hbm>> -> memref<80xi32, #tpu.memory_space<hbm>>
        tpu.wait_dma2 semaphore(%run_scoped3A : memref<!tpu.dma_semaphore, #tpu.memory_space<semaphore_mem>>) src(%dma_wait3A_21 : memref<80xi32, #tpu.memory_space<hbm>>) dst(%arg6 : memref<80xi32, #tpu.memory_space<vmem>>)
        tpu.yield
      }) : () -> ()
      "tpu.region"() ({
        %run_scoped3A = tpu.sem_alloc : memref<!tpu.dma_semaphore, #tpu.memory_space<semaphore_mem>>
        %dma_start3A = tpu.memref_slice %arg2[%add3A_19] : memref<320000xf32, #tpu.memory_space<hbm>> -> memref<80xf32, #tpu.memory_space<hbm>>
        %dma_start3A_20 = tpu.memref_slice %arg2[%add3A_19] : memref<320000xf32, #tpu.memory_space<hbm>> -> memref<80xf32, #tpu.memory_space<hbm>>
        tpu.enqueue_dma source(%dma_start3A_20 : memref<80xf32, #tpu.memory_space<hbm>>) target(%arg7 : memref<80xf32, #tpu.memory_space<vmem>>) target_semaphore(%run_scoped3A : memref<!tpu.dma_semaphore, #tpu.memory_space<semaphore_mem>>)
        %dma_wait3A = tpu.memref_slice %arg2[%add3A_19] : memref<320000xf32, #tpu.memory_space<hbm>> -> memref<80xf32, #tpu.memory_space<hbm>>
        %dma_wait3A_21 = tpu.memref_slice %arg2[%add3A_19] : memref<320000xf32, #tpu.memory_space<hbm>> -> memref<80xf32, #tpu.memory_space<hbm>>
        tpu.wait_dma2 semaphore(%run_scoped3A : memref<!tpu.dma_semaphore, #tpu.memory_space<semaphore_mem>>) src(%dma_wait3A_21 : memref<80xf32, #tpu.memory_space<hbm>>) dst(%arg7 : memref<80xf32, #tpu.memory_space<vmem>>)
        tpu.yield
      }) : () -> ()
      "tpu.region"() ({
        %run_scoped3A = tpu.sem_alloc : memref<!tpu.dma_semaphore, #tpu.memory_space<semaphore_mem>>
        %dma_start3A = arith.constant 0 : i32
        %dma_start3A_20 = tpu.memref_slice %arg8[%dma_start3A] : memref<10000xf32, #tpu.memory_space<vmem_shared>> -> memref<10000xf32, #tpu.memory_space<vmem_shared>>
        tpu.enqueue_indirect_dma source(%arg7 : memref<80xf32, #tpu.memory_space<vmem>>) target(%dma_start3A_20 : memref<10000xf32, #tpu.memory_space<vmem_shared>>) offsets(%arg6 : memref<80xi32, #tpu.memory_space<vmem>>) semaphore(%run_scoped3A : memref<!tpu.dma_semaphore, #tpu.memory_space<semaphore_mem>>) {add = true}
        %dma_wait3A = arith.constant 0 : i32
        %dma_wait3A_21 = tpu.memref_slice %arg8[%dma_wait3A] : memref<10000xf32, #tpu.memory_space<vmem_shared>> -> memref<10000xf32, #tpu.memory_space<vmem_shared>>
        tpu.wait_indirect_dma semaphore(%run_scoped3A : memref<!tpu.dma_semaphore, #tpu.memory_space<semaphore_mem>>) src(%arg7 : memref<80xf32, #tpu.memory_space<vmem>>) dst(%dma_wait3A_21 : memref<10000xf32, #tpu.memory_space<vmem_shared>>)
        tpu.yield
      }) : () -> ()
    }
    %scan3A_9 = arith.constant 125 : i32
    %barrier3A_10 = arith.constant 0 : index
    tpu.barrier barrier_id(%barrier3A_10)
    %eq3A_11 = arith.constant 0 : i32
    %eq3A_12 = arith.cmpi eq, %arg1, %eq3A_11 : i32
    %convert_element_type3A_13 = arith.extui %eq3A_12 : i1 to i32
    %cond3A_14 = arith.constant 0 : i32
    %cond3A_15 = arith.cmpi ne, %convert_element_type3A_13, %cond3A_14 : i32
    scf.if %cond3A_15 {
      "tpu.region"() ({
        %run_scoped3A = tpu.sem_alloc : memref<!tpu.dma_semaphore, #tpu.memory_space<semaphore_mem>>
        %dma_start3A = arith.constant 0 : i32
        %dma_start3A_16 = tpu.memref_slice %arg5[%arg0, %dma_start3A] : memref<2x10000xf32, #tpu.memory_space<hbm>> -> memref<1x10000xf32, #tpu.memory_space<hbm>>
        %dma_start3A_17 = tpu.memref_squeeze %dma_start3A_16 : memref<1x10000xf32, #tpu.memory_space<hbm>> -> memref<10000xf32, #tpu.memory_space<hbm>>
        tpu.enqueue_dma source(%arg8 : memref<10000xf32, #tpu.memory_space<vmem_shared>>) target(%dma_start3A_17 : memref<10000xf32, #tpu.memory_space<hbm>>) target_semaphore(%run_scoped3A : memref<!tpu.dma_semaphore, #tpu.memory_space<semaphore_mem>>)
        %dma_wait3A = arith.constant 0 : i32
        %dma_wait3A_18 = tpu.memref_slice %arg5[%arg0, %dma_wait3A] : memref<2x10000xf32, #tpu.memory_space<hbm>> -> memref<1x10000xf32, #tpu.memory_space<hbm>>
        %dma_wait3A_19 = tpu.memref_squeeze %dma_wait3A_18 : memref<1x10000xf32, #tpu.memory_space<hbm>> -> memref<10000xf32, #tpu.memory_space<hbm>>
        tpu.wait_dma2 semaphore(%run_scoped3A : memref<!tpu.dma_semaphore, #tpu.memory_space<semaphore_mem>>) src(%arg8 : memref<10000xf32, #tpu.memory_space<vmem_shared>>) dst(%dma_wait3A_19 : memref<10000xf32, #tpu.memory_space<hbm>>)
        tpu.yield
      }) : () -> ()
    } else {
    }
    return
  }
}

#map = affine_map<(d0, d1) -> (0, 0)>
#map1 = affine_map<(d0, d1) -> (0, 0, 0)>
module attributes {stable_mosaic.version = 14 : i64} {
  func.func @gather_kernel(%arg0: i32, %arg1: i32, %arg2: memref<10000x128xi32, #tpu.memory_space<hbm>>, %arg3: memref<32x250x40xi32, #tpu.memory_space<hbm>>, %arg4: memref<320000x128xi32, #tpu.memory_space<hbm>>, %arg5: memref<250x40xi32, #tpu.memory_space<vmem>>, %arg6: memref<40x128xi32, #tpu.memory_space<vmem>>, %arg7: memref<40x128xi32, #tpu.memory_space<vmem>>, %arg8: memref<!tpu.dma_semaphore, #tpu.memory_space<semaphore_mem>>, %arg9: memref<!tpu.dma_semaphore, #tpu.memory_space<semaphore_mem>>, %arg10: memref<!tpu.dma_semaphore, #tpu.memory_space<semaphore_mem>>, %arg11: memref<!tpu.dma_semaphore, #tpu.memory_space<semaphore_mem>>) attributes {dimension_semantics = [#tpu.dimension_semantics<core_parallel>, #tpu.dimension_semantics<subcore_parallel>], iteration_bounds = array<i64: 2, 16>, scalar_prefetch = 0 : i64, scratch_operands = 7 : i64, tpu.core_type = #tpu.core_type<sc_vector_subcore>, window_params = [{transform_indices = #map}, {transform_indices = #map1}, {transform_indices = #map}]} {
    %mul3A = arith.constant 2 : i32
    %mul3A_0 = arith.muli %arg1, %mul3A : i32
    %add3A = arith.addi %mul3A_0, %arg0 : i32
    %mul3A_1 = arith.constant 10000 : i32
    %mul3A_2 = arith.muli %add3A, %mul3A_1 : i32
    "tpu.region"() ({
      %run_scoped3A = tpu.sem_alloc : memref<!tpu.dma_semaphore, #tpu.memory_space<semaphore_mem>>
      %dma_start3A = arith.constant 0 : i32
      %dma_start3A_15 = arith.constant 0 : i32
      %dma_start3A_16 = tpu.memref_slice %arg3[%add3A, %dma_start3A, %dma_start3A_15] : memref<32x250x40xi32, #tpu.memory_space<hbm>> -> memref<1x250x40xi32, #tpu.memory_space<hbm>>
      %dma_start3A_17 = tpu.memref_squeeze %dma_start3A_16 : memref<1x250x40xi32, #tpu.memory_space<hbm>> -> memref<250x40xi32, #tpu.memory_space<hbm>>
      %dma_start3A_18 = arith.constant 0 : i32
      %dma_start3A_19 = arith.constant 0 : i32
      %dma_start3A_20 = tpu.memref_slice %arg3[%add3A, %dma_start3A_18, %dma_start3A_19] : memref<32x250x40xi32, #tpu.memory_space<hbm>> -> memref<1x250x40xi32, #tpu.memory_space<hbm>>
      %dma_start3A_21 = tpu.memref_squeeze %dma_start3A_20 : memref<1x250x40xi32, #tpu.memory_space<hbm>> -> memref<250x40xi32, #tpu.memory_space<hbm>>
      tpu.enqueue_dma source(%dma_start3A_21 : memref<250x40xi32, #tpu.memory_space<hbm>>) target(%arg5 : memref<250x40xi32, #tpu.memory_space<vmem>>) target_semaphore(%run_scoped3A : memref<!tpu.dma_semaphore, #tpu.memory_space<semaphore_mem>>)
      %dma_wait3A_22 = arith.constant 0 : i32
      %dma_wait3A_23 = arith.constant 0 : i32
      %dma_wait3A_24 = tpu.memref_slice %arg3[%add3A, %dma_wait3A_22, %dma_wait3A_23] : memref<32x250x40xi32, #tpu.memory_space<hbm>> -> memref<1x250x40xi32, #tpu.memory_space<hbm>>
      %dma_wait3A_25 = tpu.memref_squeeze %dma_wait3A_24 : memref<1x250x40xi32, #tpu.memory_space<hbm>> -> memref<250x40xi32, #tpu.memory_space<hbm>>
      %dma_wait3A_26 = arith.constant 0 : i32
      %dma_wait3A_27 = arith.constant 0 : i32
      %dma_wait3A_28 = tpu.memref_slice %arg3[%add3A, %dma_wait3A_26, %dma_wait3A_27] : memref<32x250x40xi32, #tpu.memory_space<hbm>> -> memref<1x250x40xi32, #tpu.memory_space<hbm>>
      %dma_wait3A_29 = tpu.memref_squeeze %dma_wait3A_28 : memref<1x250x40xi32, #tpu.memory_space<hbm>> -> memref<250x40xi32, #tpu.memory_space<hbm>>
      tpu.wait_dma2 semaphore(%run_scoped3A : memref<!tpu.dma_semaphore, #tpu.memory_space<semaphore_mem>>) src(%dma_wait3A_29 : memref<250x40xi32, #tpu.memory_space<hbm>>) dst(%arg5 : memref<250x40xi32, #tpu.memory_space<vmem>>)
      tpu.yield
    }) : () -> ()
    %scan3A = arith.constant 0 : i32
    %scan3A_3 = arith.constant 0 : i32
    %scan3A_4 = arith.constant 125 : i32
    %scan3A_5 = arith.addi %scan3A_3, %scan3A_4 : i32
    %scan3A_6 = arith.constant 1 : i32
    scf.for %scan3A_15 = %scan3A_3 to %scan3A_5 step %scan3A_6  : i32 {
      %mul3A_16 = arith.constant 2 : i32
      %mul3A_17 = arith.muli %mul3A_16, %scan3A_15 : i32
      %add3A_18 = arith.constant 1 : i32
      %add3A_19 = arith.addi %mul3A_17, %add3A_18 : i32
      %gt3A = arith.constant 0 : i32
      %gt3A_20 = arith.cmpi sgt, %scan3A_15, %gt3A : i32
      %convert_element_type3A = arith.extui %gt3A_20 : i1 to i32
      %cond3A = arith.constant 0 : i32
      %cond3A_21 = arith.cmpi ne, %convert_element_type3A, %cond3A : i32
      scf.if %cond3A_21 {
        %dma_wait3A_64 = arith.constant 0 : i32
        %dma_wait3A_65 = tpu.memref_slice %arg4[%mul3A_2, %dma_wait3A_64] : memref<320000x128xi32, #tpu.memory_space<hbm>> -> memref<40x128xi32, #tpu.memory_space<hbm>>
        %dma_wait3A_66 = arith.constant 0 : i32
        %dma_wait3A_67 = tpu.memref_slice %arg4[%mul3A_2, %dma_wait3A_66] : memref<320000x128xi32, #tpu.memory_space<hbm>> -> memref<40x128xi32, #tpu.memory_space<hbm>>
        tpu.wait_dma2 semaphore(%arg10 : memref<!tpu.dma_semaphore, #tpu.memory_space<semaphore_mem>>) src(%arg6 : memref<40x128xi32, #tpu.memory_space<vmem>>) dst(%dma_wait3A_67 : memref<40x128xi32, #tpu.memory_space<hbm>>)
      } else {
      }
      %dma_start3A = arith.constant 0 : i32
      %dma_start3A_22 = tpu.memref_slice %arg5[%mul3A_17, %dma_start3A] : memref<250x40xi32, #tpu.memory_space<vmem>> -> memref<1x40xi32, #tpu.memory_space<vmem>>
      %dma_start3A_23 = tpu.memref_squeeze %dma_start3A_22 : memref<1x40xi32, #tpu.memory_space<vmem>> -> memref<40xi32, #tpu.memory_space<vmem>>
      %dma_start3A_24 = arith.constant 0 : i32
      %dma_start3A_25 = arith.constant 0 : i32
      %dma_start3A_26 = tpu.memref_slice %arg2[%dma_start3A_24, %dma_start3A_25] : memref<10000x128xi32, #tpu.memory_space<hbm>> -> memref<10000x128xi32, #tpu.memory_space<hbm>>
      tpu.enqueue_indirect_dma source(%dma_start3A_26 : memref<10000x128xi32, #tpu.memory_space<hbm>>) target(%arg6 : memref<40x128xi32, #tpu.memory_space<vmem>>) offsets(%dma_start3A_23 : memref<40xi32, #tpu.memory_space<vmem>>) semaphore(%arg8 : memref<!tpu.dma_semaphore, #tpu.memory_space<semaphore_mem>>)
      %dma_wait3A_27 = arith.constant 0 : i32
      %dma_wait3A_28 = tpu.memref_slice %arg5[%mul3A_17, %dma_wait3A_27] : memref<250x40xi32, #tpu.memory_space<vmem>> -> memref<1x40xi32, #tpu.memory_space<vmem>>
      %dma_wait3A_29 = tpu.memref_squeeze %dma_wait3A_28 : memref<1x40xi32, #tpu.memory_space<vmem>> -> memref<40xi32, #tpu.memory_space<vmem>>
      %dma_wait3A_30 = arith.constant 0 : i32
      %dma_wait3A_31 = arith.constant 0 : i32
      %dma_wait3A_32 = tpu.memref_slice %arg2[%dma_wait3A_30, %dma_wait3A_31] : memref<10000x128xi32, #tpu.memory_space<hbm>> -> memref<10000x128xi32, #tpu.memory_space<hbm>>
      tpu.wait_indirect_dma semaphore(%arg8 : memref<!tpu.dma_semaphore, #tpu.memory_space<semaphore_mem>>) src(%dma_wait3A_32 : memref<10000x128xi32, #tpu.memory_space<hbm>>) dst(%arg6 : memref<40x128xi32, #tpu.memory_space<vmem>>)
      %mul3A_33 = arith.constant 40 : i32
      %mul3A_34 = arith.muli %mul3A_17, %mul3A_33 : i32
      %add3A_35 = arith.addi %mul3A_2, %mul3A_34 : i32
      %dma_start3A_36 = arith.constant 0 : i32
      %dma_start3A_37 = tpu.memref_slice %arg4[%add3A_35, %dma_start3A_36] : memref<320000x128xi32, #tpu.memory_space<hbm>> -> memref<40x128xi32, #tpu.memory_space<hbm>>
      %dma_start3A_38 = arith.constant 0 : i32
      %dma_start3A_39 = tpu.memref_slice %arg4[%add3A_35, %dma_start3A_38] : memref<320000x128xi32, #tpu.memory_space<hbm>> -> memref<40x128xi32, #tpu.memory_space<hbm>>
      tpu.enqueue_dma source(%arg6 : memref<40x128xi32, #tpu.memory_space<vmem>>) target(%dma_start3A_39 : memref<40x128xi32, #tpu.memory_space<hbm>>) target_semaphore(%arg10 : memref<!tpu.dma_semaphore, #tpu.memory_space<semaphore_mem>>)
      %gt3A_40 = arith.constant 0 : i32
      %gt3A_41 = arith.cmpi sgt, %scan3A_15, %gt3A_40 : i32
      %convert_element_type3A_42 = arith.extui %gt3A_41 : i1 to i32
      %cond3A_43 = arith.constant 0 : i32
      %cond3A_44 = arith.cmpi ne, %convert_element_type3A_42, %cond3A_43 : i32
      scf.if %cond3A_44 {
        %dma_wait3A_64 = arith.constant 0 : i32
        %dma_wait3A_65 = tpu.memref_slice %arg4[%mul3A_2, %dma_wait3A_64] : memref<320000x128xi32, #tpu.memory_space<hbm>> -> memref<40x128xi32, #tpu.memory_space<hbm>>
        %dma_wait3A_66 = arith.constant 0 : i32
        %dma_wait3A_67 = tpu.memref_slice %arg4[%mul3A_2, %dma_wait3A_66] : memref<320000x128xi32, #tpu.memory_space<hbm>> -> memref<40x128xi32, #tpu.memory_space<hbm>>
        tpu.wait_dma2 semaphore(%arg11 : memref<!tpu.dma_semaphore, #tpu.memory_space<semaphore_mem>>) src(%arg7 : memref<40x128xi32, #tpu.memory_space<vmem>>) dst(%dma_wait3A_67 : memref<40x128xi32, #tpu.memory_space<hbm>>)
      } else {
      }
      %dma_start3A_45 = arith.constant 0 : i32
      %dma_start3A_46 = tpu.memref_slice %arg5[%add3A_19, %dma_start3A_45] : memref<250x40xi32, #tpu.memory_space<vmem>> -> memref<1x40xi32, #tpu.memory_space<vmem>>
      %dma_start3A_47 = tpu.memref_squeeze %dma_start3A_46 : memref<1x40xi32, #tpu.memory_space<vmem>> -> memref<40xi32, #tpu.memory_space<vmem>>
      %dma_start3A_48 = arith.constant 0 : i32
      %dma_start3A_49 = arith.constant 0 : i32
      %dma_start3A_50 = tpu.memref_slice %arg2[%dma_start3A_48, %dma_start3A_49] : memref<10000x128xi32, #tpu.memory_space<hbm>> -> memref<10000x128xi32, #tpu.memory_space<hbm>>
      tpu.enqueue_indirect_dma source(%dma_start3A_50 : memref<10000x128xi32, #tpu.memory_space<hbm>>) target(%arg7 : memref<40x128xi32, #tpu.memory_space<vmem>>) offsets(%dma_start3A_47 : memref<40xi32, #tpu.memory_space<vmem>>) semaphore(%arg9 : memref<!tpu.dma_semaphore, #tpu.memory_space<semaphore_mem>>)
      %dma_wait3A_51 = arith.constant 0 : i32
      %dma_wait3A_52 = tpu.memref_slice %arg5[%add3A_19, %dma_wait3A_51] : memref<250x40xi32, #tpu.memory_space<vmem>> -> memref<1x40xi32, #tpu.memory_space<vmem>>
      %dma_wait3A_53 = tpu.memref_squeeze %dma_wait3A_52 : memref<1x40xi32, #tpu.memory_space<vmem>> -> memref<40xi32, #tpu.memory_space<vmem>>
      %dma_wait3A_54 = arith.constant 0 : i32
      %dma_wait3A_55 = arith.constant 0 : i32
      %dma_wait3A_56 = tpu.memref_slice %arg2[%dma_wait3A_54, %dma_wait3A_55] : memref<10000x128xi32, #tpu.memory_space<hbm>> -> memref<10000x128xi32, #tpu.memory_space<hbm>>
      tpu.wait_indirect_dma semaphore(%arg9 : memref<!tpu.dma_semaphore, #tpu.memory_space<semaphore_mem>>) src(%dma_wait3A_56 : memref<10000x128xi32, #tpu.memory_space<hbm>>) dst(%arg7 : memref<40x128xi32, #tpu.memory_space<vmem>>)
      %mul3A_57 = arith.constant 40 : i32
      %mul3A_58 = arith.muli %add3A_19, %mul3A_57 : i32
      %add3A_59 = arith.addi %mul3A_2, %mul3A_58 : i32
      %dma_start3A_60 = arith.constant 0 : i32
      %dma_start3A_61 = tpu.memref_slice %arg4[%add3A_59, %dma_start3A_60] : memref<320000x128xi32, #tpu.memory_space<hbm>> -> memref<40x128xi32, #tpu.memory_space<hbm>>
      %dma_start3A_62 = arith.constant 0 : i32
      %dma_start3A_63 = tpu.memref_slice %arg4[%add3A_59, %dma_start3A_62] : memref<320000x128xi32, #tpu.memory_space<hbm>> -> memref<40x128xi32, #tpu.memory_space<hbm>>
      tpu.enqueue_dma source(%arg7 : memref<40x128xi32, #tpu.memory_space<vmem>>) target(%dma_start3A_63 : memref<40x128xi32, #tpu.memory_space<hbm>>) target_semaphore(%arg11 : memref<!tpu.dma_semaphore, #tpu.memory_space<semaphore_mem>>)
    }
    %scan3A_7 = arith.constant 125 : i32
    %dma_wait3A = arith.constant 0 : i32
    %dma_wait3A_8 = tpu.memref_slice %arg4[%mul3A_2, %dma_wait3A] : memref<320000x128xi32, #tpu.memory_space<hbm>> -> memref<40x128xi32, #tpu.memory_space<hbm>>
    %dma_wait3A_9 = arith.constant 0 : i32
    %dma_wait3A_10 = tpu.memref_slice %arg4[%mul3A_2, %dma_wait3A_9] : memref<320000x128xi32, #tpu.memory_space<hbm>> -> memref<40x128xi32, #tpu.memory_space<hbm>>
    tpu.wait_dma2 semaphore(%arg10 : memref<!tpu.dma_semaphore, #tpu.memory_space<semaphore_mem>>) src(%arg6 : memref<40x128xi32, #tpu.memory_space<vmem>>) dst(%dma_wait3A_10 : memref<40x128xi32, #tpu.memory_space<hbm>>)
    %dma_wait3A_11 = arith.constant 0 : i32
    %dma_wait3A_12 = tpu.memref_slice %arg4[%mul3A_2, %dma_wait3A_11] : memref<320000x128xi32, #tpu.memory_space<hbm>> -> memref<40x128xi32, #tpu.memory_space<hbm>>
    %dma_wait3A_13 = arith.constant 0 : i32
    %dma_wait3A_14 = tpu.memref_slice %arg4[%mul3A_2, %dma_wait3A_13] : memref<320000x128xi32, #tpu.memory_space<hbm>> -> memref<40x128xi32, #tpu.memory_space<hbm>>
    tpu.wait_dma2 semaphore(%arg11 : memref<!tpu.dma_semaphore, #tpu.memory_space<semaphore_mem>>) src(%arg7 : memref<40x128xi32, #tpu.memory_space<vmem>>) dst(%dma_wait3A_14 : memref<40x128xi32, #tpu.memory_space<hbm>>)
    return
  }
}

#map = affine_map<(d0, d1) -> (0, 0)>
#map1 = affine_map<(d0, d1) -> (0, 0, 0)>
module attributes {stable_mosaic.version = 14 : i64} {
  func.func @gather_kernel(%arg0: i32, %arg1: i32, %arg2: memref<10000x128xi32, #tpu.memory_space<hbm>>, %arg3: memref<32x250x40xi32, #tpu.memory_space<hbm>>, %arg4: memref<320000x128xi32, #tpu.memory_space<hbm>>, %arg5: memref<250x40xi32, #tpu.memory_space<vmem>>, %arg6: memref<40x128xi32, #tpu.memory_space<vmem>>, %arg7: memref<40x128xi32, #tpu.memory_space<vmem>>, %arg8: memref<!tpu.dma_semaphore, #tpu.memory_space<semaphore_mem>>, %arg9: memref<!tpu.dma_semaphore, #tpu.memory_space<semaphore_mem>>, %arg10: memref<!tpu.dma_semaphore, #tpu.memory_space<semaphore_mem>>, %arg11: memref<!tpu.dma_semaphore, #tpu.memory_space<semaphore_mem>>) attributes {dimension_semantics = [#tpu.dimension_semantics<core_parallel>, #tpu.dimension_semantics<subcore_parallel>], iteration_bounds = array<i64: 2, 16>, scalar_prefetch = 0 : i64, scratch_operands = 7 : i64, tpu.core_type = #tpu.core_type<sc_vector_subcore>, window_params = [{transform_indices = #map}, {transform_indices = #map1}, {transform_indices = #map}]} {
    %mul3A = arith.constant 2 : i32
    %mul3A_0 = arith.muli %arg1, %mul3A : i32
    %add3A = arith.addi %mul3A_0, %arg0 : i32
    %mul3A_1 = arith.constant 10000 : i32
    %mul3A_2 = arith.muli %add3A, %mul3A_1 : i32
    "tpu.region"() ({
      %run_scoped3A = tpu.sem_alloc : memref<!tpu.dma_semaphore, #tpu.memory_space<semaphore_mem>>
      %dma_start3A = arith.constant 0 : i32
      %dma_start3A_15 = arith.constant 0 : i32
      %dma_start3A_16 = tpu.memref_slice %arg3[%add3A, %dma_start3A, %dma_start3A_15] : memref<32x250x40xi32, #tpu.memory_space<hbm>> -> memref<1x250x40xi32, #tpu.memory_space<hbm>>
      %dma_start3A_17 = tpu.memref_squeeze %dma_start3A_16 : memref<1x250x40xi32, #tpu.memory_space<hbm>> -> memref<250x40xi32, #tpu.memory_space<hbm>>
      %dma_start3A_18 = arith.constant 0 : i32
      %dma_start3A_19 = arith.constant 0 : i32
      %dma_start3A_20 = tpu.memref_slice %arg3[%add3A, %dma_start3A_18, %dma_start3A_19] : memref<32x250x40xi32, #tpu.memory_space<hbm>> -> memref<1x250x40xi32, #tpu.memory_space<hbm>>
      %dma_start3A_21 = tpu.memref_squeeze %dma_start3A_20 : memref<1x250x40xi32, #tpu.memory_space<hbm>> -> memref<250x40xi32, #tpu.memory_space<hbm>>
      tpu.enqueue_dma source(%dma_start3A_21 : memref<250x40xi32, #tpu.memory_space<hbm>>) target(%arg5 : memref<250x40xi32, #tpu.memory_space<vmem>>) target_semaphore(%run_scoped3A : memref<!tpu.dma_semaphore, #tpu.memory_space<semaphore_mem>>)
      %dma_wait3A_22 = arith.constant 0 : i32
      %dma_wait3A_23 = arith.constant 0 : i32
      %dma_wait3A_24 = tpu.memref_slice %arg3[%add3A, %dma_wait3A_22, %dma_wait3A_23] : memref<32x250x40xi32, #tpu.memory_space<hbm>> -> memref<1x250x40xi32, #tpu.memory_space<hbm>>
      %dma_wait3A_25 = tpu.memref_squeeze %dma_wait3A_24 : memref<1x250x40xi32, #tpu.memory_space<hbm>> -> memref<250x40xi32, #tpu.memory_space<hbm>>
      %dma_wait3A_26 = arith.constant 0 : i32
      %dma_wait3A_27 = arith.constant 0 : i32
      %dma_wait3A_28 = tpu.memref_slice %arg3[%add3A, %dma_wait3A_26, %dma_wait3A_27] : memref<32x250x40xi32, #tpu.memory_space<hbm>> -> memref<1x250x40xi32, #tpu.memory_space<hbm>>
      %dma_wait3A_29 = tpu.memref_squeeze %dma_wait3A_28 : memref<1x250x40xi32, #tpu.memory_space<hbm>> -> memref<250x40xi32, #tpu.memory_space<hbm>>
      tpu.wait_dma2 semaphore(%run_scoped3A : memref<!tpu.dma_semaphore, #tpu.memory_space<semaphore_mem>>) src(%dma_wait3A_29 : memref<250x40xi32, #tpu.memory_space<hbm>>) dst(%arg5 : memref<250x40xi32, #tpu.memory_space<vmem>>)
      tpu.yield
    }) : () -> ()
    %scan3A = arith.constant 0 : i32
    %scan3A_3 = arith.constant 0 : i32
    %scan3A_4 = arith.constant 125 : i32
    %scan3A_5 = arith.addi %scan3A_3, %scan3A_4 : i32
    %scan3A_6 = arith.constant 1 : i32
    scf.for %scan3A_15 = %scan3A_3 to %scan3A_5 step %scan3A_6  : i32 {
      %mul3A_16 = arith.constant 2 : i32
      %mul3A_17 = arith.muli %mul3A_16, %scan3A_15 : i32
      %add3A_18 = arith.constant 1 : i32
      %add3A_19 = arith.addi %mul3A_17, %add3A_18 : i32
      %gt3A = arith.constant 0 : i32
      %gt3A_20 = arith.cmpi sgt, %scan3A_15, %gt3A : i32
      %convert_element_type3A = arith.extui %gt3A_20 : i1 to i32
      %cond3A = arith.constant 0 : i32
      %cond3A_21 = arith.cmpi ne, %convert_element_type3A, %cond3A : i32
      scf.if %cond3A_21 {
        %dma_wait3A_64 = arith.constant 0 : i32
        %dma_wait3A_65 = tpu.memref_slice %arg4[%mul3A_2, %dma_wait3A_64] : memref<320000x128xi32, #tpu.memory_space<hbm>> -> memref<40x128xi32, #tpu.memory_space<hbm>>
        %dma_wait3A_66 = arith.constant 0 : i32
        %dma_wait3A_67 = tpu.memref_slice %arg4[%mul3A_2, %dma_wait3A_66] : memref<320000x128xi32, #tpu.memory_space<hbm>> -> memref<40x128xi32, #tpu.memory_space<hbm>>
        tpu.wait_dma2 semaphore(%arg10 : memref<!tpu.dma_semaphore, #tpu.memory_space<semaphore_mem>>) src(%arg6 : memref<40x128xi32, #tpu.memory_space<vmem>>) dst(%dma_wait3A_67 : memref<40x128xi32, #tpu.memory_space<hbm>>)
      } else {
      }
      %dma_start3A = arith.constant 0 : i32
      %dma_start3A_22 = tpu.memref_slice %arg5[%mul3A_17, %dma_start3A] : memref<250x40xi32, #tpu.memory_space<vmem>> -> memref<1x40xi32, #tpu.memory_space<vmem>>
      %dma_start3A_23 = tpu.memref_squeeze %dma_start3A_22 : memref<1x40xi32, #tpu.memory_space<vmem>> -> memref<40xi32, #tpu.memory_space<vmem>>
      %dma_start3A_24 = arith.constant 0 : i32
      %dma_start3A_25 = arith.constant 0 : i32
      %dma_start3A_26 = tpu.memref_slice %arg2[%dma_start3A_24, %dma_start3A_25] : memref<10000x128xi32, #tpu.memory_space<hbm>> -> memref<10000x128xi32, #tpu.memory_space<hbm>>
      tpu.enqueue_indirect_dma source(%dma_start3A_26 : memref<10000x128xi32, #tpu.memory_space<hbm>>) target(%arg6 : memref<40x128xi32, #tpu.memory_space<vmem>>) offsets(%dma_start3A_23 : memref<40xi32, #tpu.memory_space<vmem>>) semaphore(%arg8 : memref<!tpu.dma_semaphore, #tpu.memory_space<semaphore_mem>>)
      %dma_wait3A_27 = arith.constant 0 : i32
      %dma_wait3A_28 = tpu.memref_slice %arg5[%mul3A_17, %dma_wait3A_27] : memref<250x40xi32, #tpu.memory_space<vmem>> -> memref<1x40xi32, #tpu.memory_space<vmem>>
      %dma_wait3A_29 = tpu.memref_squeeze %dma_wait3A_28 : memref<1x40xi32, #tpu.memory_space<vmem>> -> memref<40xi32, #tpu.memory_space<vmem>>
      %dma_wait3A_30 = arith.constant 0 : i32
      %dma_wait3A_31 = arith.constant 0 : i32
      %dma_wait3A_32 = tpu.memref_slice %arg2[%dma_wait3A_30, %dma_wait3A_31] : memref<10000x128xi32, #tpu.memory_space<hbm>> -> memref<10000x128xi32, #tpu.memory_space<hbm>>
      tpu.wait_indirect_dma semaphore(%arg8 : memref<!tpu.dma_semaphore, #tpu.memory_space<semaphore_mem>>) src(%dma_wait3A_32 : memref<10000x128xi32, #tpu.memory_space<hbm>>) dst(%arg6 : memref<40x128xi32, #tpu.memory_space<vmem>>)
      %mul3A_33 = arith.constant 40 : i32
      %mul3A_34 = arith.muli %mul3A_17, %mul3A_33 : i32
      %add3A_35 = arith.addi %mul3A_2, %mul3A_34 : i32
      %dma_start3A_36 = arith.constant 0 : i32
      %dma_start3A_37 = tpu.memref_slice %arg4[%add3A_35, %dma_start3A_36] : memref<320000x128xi32, #tpu.memory_space<hbm>> -> memref<40x128xi32, #tpu.memory_space<hbm>>
      %dma_start3A_38 = arith.constant 0 : i32
      %dma_start3A_39 = tpu.memref_slice %arg4[%add3A_35, %dma_start3A_38] : memref<320000x128xi32, #tpu.memory_space<hbm>> -> memref<40x128xi32, #tpu.memory_space<hbm>>
      tpu.enqueue_dma source(%arg6 : memref<40x128xi32, #tpu.memory_space<vmem>>) target(%dma_start3A_39 : memref<40x128xi32, #tpu.memory_space<hbm>>) target_semaphore(%arg10 : memref<!tpu.dma_semaphore, #tpu.memory_space<semaphore_mem>>)
      %gt3A_40 = arith.constant 0 : i32
      %gt3A_41 = arith.cmpi sgt, %scan3A_15, %gt3A_40 : i32
      %convert_element_type3A_42 = arith.extui %gt3A_41 : i1 to i32
      %cond3A_43 = arith.constant 0 : i32
      %cond3A_44 = arith.cmpi ne, %convert_element_type3A_42, %cond3A_43 : i32
      scf.if %cond3A_44 {
        %dma_wait3A_64 = arith.constant 0 : i32
        %dma_wait3A_65 = tpu.memref_slice %arg4[%mul3A_2, %dma_wait3A_64] : memref<320000x128xi32, #tpu.memory_space<hbm>> -> memref<40x128xi32, #tpu.memory_space<hbm>>
        %dma_wait3A_66 = arith.constant 0 : i32
        %dma_wait3A_67 = tpu.memref_slice %arg4[%mul3A_2, %dma_wait3A_66] : memref<320000x128xi32, #tpu.memory_space<hbm>> -> memref<40x128xi32, #tpu.memory_space<hbm>>
        tpu.wait_dma2 semaphore(%arg11 : memref<!tpu.dma_semaphore, #tpu.memory_space<semaphore_mem>>) src(%arg7 : memref<40x128xi32, #tpu.memory_space<vmem>>) dst(%dma_wait3A_67 : memref<40x128xi32, #tpu.memory_space<hbm>>)
      } else {
      }
      %dma_start3A_45 = arith.constant 0 : i32
      %dma_start3A_46 = tpu.memref_slice %arg5[%add3A_19, %dma_start3A_45] : memref<250x40xi32, #tpu.memory_space<vmem>> -> memref<1x40xi32, #tpu.memory_space<vmem>>
      %dma_start3A_47 = tpu.memref_squeeze %dma_start3A_46 : memref<1x40xi32, #tpu.memory_space<vmem>> -> memref<40xi32, #tpu.memory_space<vmem>>
      %dma_start3A_48 = arith.constant 0 : i32
      %dma_start3A_49 = arith.constant 0 : i32
      %dma_start3A_50 = tpu.memref_slice %arg2[%dma_start3A_48, %dma_start3A_49] : memref<10000x128xi32, #tpu.memory_space<hbm>> -> memref<10000x128xi32, #tpu.memory_space<hbm>>
      tpu.enqueue_indirect_dma source(%dma_start3A_50 : memref<10000x128xi32, #tpu.memory_space<hbm>>) target(%arg7 : memref<40x128xi32, #tpu.memory_space<vmem>>) offsets(%dma_start3A_47 : memref<40xi32, #tpu.memory_space<vmem>>) semaphore(%arg9 : memref<!tpu.dma_semaphore, #tpu.memory_space<semaphore_mem>>)
      %dma_wait3A_51 = arith.constant 0 : i32
      %dma_wait3A_52 = tpu.memref_slice %arg5[%add3A_19, %dma_wait3A_51] : memref<250x40xi32, #tpu.memory_space<vmem>> -> memref<1x40xi32, #tpu.memory_space<vmem>>
      %dma_wait3A_53 = tpu.memref_squeeze %dma_wait3A_52 : memref<1x40xi32, #tpu.memory_space<vmem>> -> memref<40xi32, #tpu.memory_space<vmem>>
      %dma_wait3A_54 = arith.constant 0 : i32
      %dma_wait3A_55 = arith.constant 0 : i32
      %dma_wait3A_56 = tpu.memref_slice %arg2[%dma_wait3A_54, %dma_wait3A_55] : memref<10000x128xi32, #tpu.memory_space<hbm>> -> memref<10000x128xi32, #tpu.memory_space<hbm>>
      tpu.wait_indirect_dma semaphore(%arg9 : memref<!tpu.dma_semaphore, #tpu.memory_space<semaphore_mem>>) src(%dma_wait3A_56 : memref<10000x128xi32, #tpu.memory_space<hbm>>) dst(%arg7 : memref<40x128xi32, #tpu.memory_space<vmem>>)
      %mul3A_57 = arith.constant 40 : i32
      %mul3A_58 = arith.muli %add3A_19, %mul3A_57 : i32
      %add3A_59 = arith.addi %mul3A_2, %mul3A_58 : i32
      %dma_start3A_60 = arith.constant 0 : i32
      %dma_start3A_61 = tpu.memref_slice %arg4[%add3A_59, %dma_start3A_60] : memref<320000x128xi32, #tpu.memory_space<hbm>> -> memref<40x128xi32, #tpu.memory_space<hbm>>
      %dma_start3A_62 = arith.constant 0 : i32
      %dma_start3A_63 = tpu.memref_slice %arg4[%add3A_59, %dma_start3A_62] : memref<320000x128xi32, #tpu.memory_space<hbm>> -> memref<40x128xi32, #tpu.memory_space<hbm>>
      tpu.enqueue_dma source(%arg7 : memref<40x128xi32, #tpu.memory_space<vmem>>) target(%dma_start3A_63 : memref<40x128xi32, #tpu.memory_space<hbm>>) target_semaphore(%arg11 : memref<!tpu.dma_semaphore, #tpu.memory_space<semaphore_mem>>)
    }
    %scan3A_7 = arith.constant 125 : i32
    %dma_wait3A = arith.constant 0 : i32
    %dma_wait3A_8 = tpu.memref_slice %arg4[%mul3A_2, %dma_wait3A] : memref<320000x128xi32, #tpu.memory_space<hbm>> -> memref<40x128xi32, #tpu.memory_space<hbm>>
    %dma_wait3A_9 = arith.constant 0 : i32
    %dma_wait3A_10 = tpu.memref_slice %arg4[%mul3A_2, %dma_wait3A_9] : memref<320000x128xi32, #tpu.memory_space<hbm>> -> memref<40x128xi32, #tpu.memory_space<hbm>>
    tpu.wait_dma2 semaphore(%arg10 : memref<!tpu.dma_semaphore, #tpu.memory_space<semaphore_mem>>) src(%arg6 : memref<40x128xi32, #tpu.memory_space<vmem>>) dst(%dma_wait3A_10 : memref<40x128xi32, #tpu.memory_space<hbm>>)
    %dma_wait3A_11 = arith.constant 0 : i32
    %dma_wait3A_12 = tpu.memref_slice %arg4[%mul3A_2, %dma_wait3A_11] : memref<320000x128xi32, #tpu.memory_space<hbm>> -> memref<40x128xi32, #tpu.memory_space<hbm>>
    %dma_wait3A_13 = arith.constant 0 : i32
    %dma_wait3A_14 = tpu.memref_slice %arg4[%mul3A_2, %dma_wait3A_13] : memref<320000x128xi32, #tpu.memory_space<hbm>> -> memref<40x128xi32, #tpu.memory_space<hbm>>
    tpu.wait_dma2 semaphore(%arg11 : memref<!tpu.dma_semaphore, #tpu.memory_space<semaphore_mem>>) src(%arg7 : memref<40x128xi32, #tpu.memory_space<vmem>>) dst(%dma_wait3A_14 : memref<40x128xi32, #tpu.memory_space<hbm>>)
    return
  }
}

module attributes {stable_mosaic.version = 14 : i64} {
  func.func @_pass1_body(%arg0: i32, %arg1: memref<2560x16xbf16, #tpu.memory_space<vmem>>, %arg2: memref<2560x128xi32, #tpu.memory_space<vmem>>, %arg3: memref<80x256xf32, #tpu.memory_space<vmem>>, %arg4: memref<2560x80xbf16, #tpu.memory_space<vmem>>, %arg5: memref<16x256xbf16, #tpu.memory_space<vmem>>, %arg6: memref<1x256xf32, #tpu.memory_space<vmem>>, %arg7: memref<256x256xbf16, #tpu.memory_space<vmem>>, %arg8: memref<1x256xf32, #tpu.memory_space<vmem>>, %arg9: memref<256x256xbf16, #tpu.memory_space<vmem>>, %arg10: memref<1x256xf32, #tpu.memory_space<vmem>>, %arg11: memref<256x256xbf16, #tpu.memory_space<vmem>>, %arg12: memref<1x256xf32, #tpu.memory_space<vmem>>, %arg13: memref<256x1xbf16, #tpu.memory_space<vmem>>, %arg14: memref<1x1xf32, #tpu.memory_space<vmem>>, %arg15: memref<256x256xbf16, #tpu.memory_space<vmem>>, %arg16: memref<1x256xf32, #tpu.memory_space<vmem>>, %arg17: memref<2560x1xf32, #tpu.memory_space<vmem>>, %arg18: memref<2560x256xbf16, #tpu.memory_space<vmem>>) attributes {dimension_semantics = [#tpu.dimension_semantics<arbitrary>], iteration_bounds = array<i64: 125>, scalar_prefetch = 0 : i64, scratch_operands = 0 : i64, tpu.core_type = #tpu.core_type<tc>, window_params = [{transform_indices = @transform_0, window_bounds = array<i64: 2560, 16>}, {transform_indices = @transform_1, window_bounds = array<i64: 2560, 128>}, {transform_indices = @transform_2, window_bounds = array<i64: 80, 256>}, {pipeline_mode = #tpu.pipeline_mode<synchronous>, transform_indices = @transform_3, window_bounds = array<i64: 2560, 80>}, {pipeline_mode = #tpu.pipeline_mode<synchronous>, transform_indices = @transform_4, window_bounds = array<i64: 16, 256>}, {pipeline_mode = #tpu.pipeline_mode<synchronous>, transform_indices = @transform_5, window_bounds = array<i64: 1, 256>}, {pipeline_mode = #tpu.pipeline_mode<synchronous>, transform_indices = @transform_6, window_bounds = array<i64: 256, 256>}, {pipeline_mode = #tpu.pipeline_mode<synchronous>, transform_indices = @transform_7, window_bounds = array<i64: 1, 256>}, {pipeline_mode = #tpu.pipeline_mode<synchronous>, transform_indices = @transform_8, window_bounds = array<i64: 256, 256>}, {pipeline_mode = #tpu.pipeline_mode<synchronous>, transform_indices = @transform_9, window_bounds = array<i64: 1, 256>}, {pipeline_mode = #tpu.pipeline_mode<synchronous>, transform_indices = @transform_10, window_bounds = array<i64: 256, 256>}, {pipeline_mode = #tpu.pipeline_mode<synchronous>, transform_indices = @transform_11, window_bounds = array<i64: 1, 256>}, {pipeline_mode = #tpu.pipeline_mode<synchronous>, transform_indices = @transform_12, window_bounds = array<i64: 256, 1>}, {pipeline_mode = #tpu.pipeline_mode<synchronous>, transform_indices = @transform_13, window_bounds = array<i64: 1, 1>}, {pipeline_mode = #tpu.pipeline_mode<synchronous>, transform_indices = @transform_14, window_bounds = array<i64: 256, 256>}, {pipeline_mode = #tpu.pipeline_mode<synchronous>, transform_indices = @transform_15, window_bounds = array<i64: 1, 256>}, {transform_indices = @transform_16, window_bounds = array<i64: 2560, 1>}, {transform_indices = @transform_17, window_bounds = array<i64: 2560, 256>}]} {
    %get3A = arith.constant 0 : index
    %get3A_0 = arith.constant 0 : index
    %get3A_1 = vector.load %arg1[%get3A, %get3A_0] : memref<2560x16xbf16, #tpu.memory_space<vmem>>, vector<2560x16xbf16>
    %get3A_2 = arith.constant 0 : index
    %get3A_3 = arith.constant 0 : index
    %get3A_4 = vector.load %arg5[%get3A_2, %get3A_3] : memref<16x256xbf16, #tpu.memory_space<vmem>>, vector<16x256xbf16>
    %dot_general3A = arith.constant dense<0.000000e+00> : vector<2560x256xf32>
    %dot_general3A_5 = tpu.matmul %get3A_1, %get3A_4, %dot_general3A {dimension_numbers = #tpu.dot_dimension_numbers<[1], [0], [0], [1], [0, 0, 1, 1], [], []>, transpose_lhs_hint = false} : vector<2560x16xbf16>, vector<16x256xbf16>, vector<2560x256xf32> -> vector<2560x256xf32>
    %get3A_6 = arith.constant 0 : index
    %get3A_7 = arith.constant 0 : index
    %get3A_8 = vector.load %arg6[%get3A_6, %get3A_7] : memref<1x256xf32, #tpu.memory_space<vmem>>, vector<1x256xf32>
    %add3A = vector.broadcast %get3A_8 : vector<1x256xf32> to vector<2560x256xf32>
    %add3A_9 = arith.addf %dot_general3A_5, %add3A : vector<2560x256xf32>
    %max3A = arith.constant 0.000000e+00 : f32
    %max3A_10 = vector.broadcast %max3A : f32 to vector<2560x256xf32>
    %max3A_11 = arith.maximumf %add3A_9, %max3A_10 : vector<2560x256xf32>
    %convert_element_type3A = arith.truncf %max3A_11 : vector<2560x256xf32> to vector<2560x256xbf16>
    %get3A_12 = arith.constant 0 : index
    %get3A_13 = arith.constant 0 : index
    %get3A_14 = vector.load %arg7[%get3A_12, %get3A_13] : memref<256x256xbf16, #tpu.memory_space<vmem>>, vector<256x256xbf16>
    %dot_general3A_15 = arith.constant dense<0.000000e+00> : vector<2560x256xf32>
    %dot_general3A_16 = tpu.matmul %convert_element_type3A, %get3A_14, %dot_general3A_15 {dimension_numbers = #tpu.dot_dimension_numbers<[1], [0], [0], [1], [0, 0, 1, 1], [], []>, transpose_lhs_hint = false} : vector<2560x256xbf16>, vector<256x256xbf16>, vector<2560x256xf32> -> vector<2560x256xf32>
    %get3A_17 = arith.constant 0 : index
    %get3A_18 = arith.constant 0 : index
    %get3A_19 = vector.load %arg8[%get3A_17, %get3A_18] : memref<1x256xf32, #tpu.memory_space<vmem>>, vector<1x256xf32>
    %add3A_20 = vector.broadcast %get3A_19 : vector<1x256xf32> to vector<2560x256xf32>
    %add3A_21 = arith.addf %dot_general3A_16, %add3A_20 : vector<2560x256xf32>
    %max3A_22 = arith.constant 0.000000e+00 : f32
    %max3A_23 = vector.broadcast %max3A_22 : f32 to vector<2560x256xf32>
    %max3A_24 = arith.maximumf %add3A_21, %max3A_23 : vector<2560x256xf32>
    %convert_element_type3A_25 = arith.truncf %max3A_24 : vector<2560x256xf32> to vector<2560x256xbf16>
    %get3A_26 = arith.constant 0 : index
    %get3A_27 = arith.constant 0 : index
    %get3A_28 = vector.load %arg4[%get3A_26, %get3A_27] : memref<2560x80xbf16, #tpu.memory_space<vmem>>, vector<2560x80xbf16>
    %get3A_29 = arith.constant 0 : index
    %get3A_30 = arith.constant 0 : index
    %get3A_31 = vector.load %arg3[%get3A_29, %get3A_30] : memref<80x256xf32, #tpu.memory_space<vmem>>, vector<80x256xf32>
    %convert_element_type3A_32 = arith.truncf %get3A_31 : vector<80x256xf32> to vector<80x256xbf16>
    %dot_general3A_33 = arith.constant dense<0.000000e+00> : vector<2560x256xf32>
    %dot_general3A_34 = tpu.matmul %get3A_28, %convert_element_type3A_32, %dot_general3A_33 {dimension_numbers = #tpu.dot_dimension_numbers<[1], [0], [0], [1], [0, 0, 1, 1], [], []>, transpose_lhs_hint = false} : vector<2560x80xbf16>, vector<80x256xbf16>, vector<2560x256xf32> -> vector<2560x256xf32>
    %get3A_35 = arith.constant 0 : index
    %get3A_36 = arith.constant 0 : index
    %get3A_37 = vector.load %arg9[%get3A_35, %get3A_36] : memref<256x256xbf16, #tpu.memory_space<vmem>>, vector<256x256xbf16>
    %dot_general3A_38 = arith.constant dense<0.000000e+00> : vector<2560x256xf32>
    %dot_general3A_39 = tpu.matmul %convert_element_type3A_25, %get3A_37, %dot_general3A_38 {dimension_numbers = #tpu.dot_dimension_numbers<[1], [0], [0], [1], [0, 0, 1, 1], [], []>, transpose_lhs_hint = false} : vector<2560x256xbf16>, vector<256x256xbf16>, vector<2560x256xf32> -> vector<2560x256xf32>
    %get3A_40 = arith.constant 0 : index
    %get3A_41 = arith.constant 0 : index
    %get3A_42 = vector.load %arg2[%get3A_40, %get3A_41] : memref<2560x128xi32, #tpu.memory_space<vmem>>, vector<2560x128xi32>
    %shift_left3A = arith.constant 16 : i32
    %shift_left3A_43 = vector.broadcast %shift_left3A : i32 to vector<2560x128xi32>
    %shift_left3A_44 = arith.shli %get3A_42, %shift_left3A_43 : vector<2560x128xi32>
    %bitcast_convert_type3A = tpu.bitcast %shift_left3A_44 : vector<2560x128xi32> -> vector<2560x128xf32>
    %and3A = arith.constant -65536 : i32
    %and3A_45 = vector.broadcast %and3A : i32 to vector<2560x128xi32>
    %and3A_46 = arith.andi %get3A_42, %and3A_45 : vector<2560x128xi32>
    %bitcast_convert_type3A_47 = tpu.bitcast %and3A_46 : vector<2560x128xi32> -> vector<2560x128xf32>
    %concatenate3A = tpu.concatenate %bitcast_convert_type3A, %bitcast_convert_type3A_47 in 1 : vector<2560x128xf32>, vector<2560x128xf32> -> vector<2560x256xf32>
    %add3A_48 = arith.addf %dot_general3A_39, %concatenate3A : vector<2560x256xf32>
    %add3A_49 = arith.addf %add3A_48, %dot_general3A_34 : vector<2560x256xf32>
    %get3A_50 = arith.constant 0 : index
    %get3A_51 = arith.constant 0 : index
    %get3A_52 = vector.load %arg10[%get3A_50, %get3A_51] : memref<1x256xf32, #tpu.memory_space<vmem>>, vector<1x256xf32>
    %add3A_53 = vector.broadcast %get3A_52 : vector<1x256xf32> to vector<2560x256xf32>
    %add3A_54 = arith.addf %add3A_49, %add3A_53 : vector<2560x256xf32>
    %max3A_55 = arith.constant 0.000000e+00 : f32
    %max3A_56 = vector.broadcast %max3A_55 : f32 to vector<2560x256xf32>
    %max3A_57 = arith.maximumf %add3A_54, %max3A_56 : vector<2560x256xf32>
    %convert_element_type3A_58 = arith.truncf %max3A_57 : vector<2560x256xf32> to vector<2560x256xbf16>
    %get3A_59 = arith.constant 0 : index
    %get3A_60 = arith.constant 0 : index
    %get3A_61 = vector.load %arg11[%get3A_59, %get3A_60] : memref<256x256xbf16, #tpu.memory_space<vmem>>, vector<256x256xbf16>
    %dot_general3A_62 = arith.constant dense<0.000000e+00> : vector<2560x256xf32>
    %dot_general3A_63 = tpu.matmul %convert_element_type3A_58, %get3A_61, %dot_general3A_62 {dimension_numbers = #tpu.dot_dimension_numbers<[1], [0], [0], [1], [0, 0, 1, 1], [], []>, transpose_lhs_hint = false} : vector<2560x256xbf16>, vector<256x256xbf16>, vector<2560x256xf32> -> vector<2560x256xf32>
    %get3A_64 = arith.constant 0 : index
    %get3A_65 = arith.constant 0 : index
    %get3A_66 = vector.load %arg12[%get3A_64, %get3A_65] : memref<1x256xf32, #tpu.memory_space<vmem>>, vector<1x256xf32>
    %add3A_67 = vector.broadcast %get3A_66 : vector<1x256xf32> to vector<2560x256xf32>
    %add3A_68 = arith.addf %dot_general3A_63, %add3A_67 : vector<2560x256xf32>
    %max3A_69 = arith.constant 0.000000e+00 : f32
    %max3A_70 = vector.broadcast %max3A_69 : f32 to vector<2560x256xf32>
    %max3A_71 = arith.maximumf %add3A_68, %max3A_70 : vector<2560x256xf32>
    %convert_element_type3A_72 = arith.truncf %max3A_71 : vector<2560x256xf32> to vector<2560x256xbf16>
    %get3A_73 = arith.constant 0 : index
    %get3A_74 = arith.constant 0 : index
    %get3A_75 = vector.load %arg13[%get3A_73, %get3A_74] : memref<256x1xbf16, #tpu.memory_space<vmem>>, vector<256x1xbf16>
    %dot_general3A_76 = arith.constant dense<0.000000e+00> : vector<2560x1xf32>
    %dot_general3A_77 = tpu.matmul %convert_element_type3A_72, %get3A_75, %dot_general3A_76 {dimension_numbers = #tpu.dot_dimension_numbers<[1], [0], [0], [1], [0, 0, 1, 1], [], []>, transpose_lhs_hint = false} : vector<2560x256xbf16>, vector<256x1xbf16>, vector<2560x1xf32> -> vector<2560x1xf32>
    %get3A_78 = arith.constant 0 : index
    %get3A_79 = arith.constant 0 : index
    %get3A_80 = vector.load %arg14[%get3A_78, %get3A_79] : memref<1x1xf32, #tpu.memory_space<vmem>>, vector<1x1xf32>
    %add3A_81 = vector.broadcast %get3A_80 : vector<1x1xf32> to vector<2560x1xf32>
    %add3A_82 = arith.addf %dot_general3A_77, %add3A_81 : vector<2560x1xf32>
    %swap3A = arith.constant 0 : index
    %swap3A_83 = arith.constant 0 : index
    %swap3A_84 = vector.load %arg17[%swap3A, %swap3A_83] : memref<2560x1xf32, #tpu.memory_space<vmem>>, vector<2560x1xf32>
    tpu.vector_store %arg17[%swap3A, %swap3A_83], %add3A_82 {strides = array<i32>} : memref<2560x1xf32, #tpu.memory_space<vmem>>, vector<2560x1xf32>,
    %get3A_85 = arith.constant 0 : index
    %get3A_86 = arith.constant 0 : index
    %get3A_87 = vector.load %arg15[%get3A_85, %get3A_86] : memref<256x256xbf16, #tpu.memory_space<vmem>>, vector<256x256xbf16>
    %dot_general3A_88 = arith.constant dense<0.000000e+00> : vector<2560x256xf32>
    %dot_general3A_89 = tpu.matmul %convert_element_type3A_25, %get3A_87, %dot_general3A_88 {dimension_numbers = #tpu.dot_dimension_numbers<[1], [0], [0], [1], [0, 0, 1, 1], [], []>, transpose_lhs_hint = false} : vector<2560x256xbf16>, vector<256x256xbf16>, vector<2560x256xf32> -> vector<2560x256xf32>
    %get3A_90 = arith.constant 0 : index
    %get3A_91 = arith.constant 0 : index
    %get3A_92 = vector.load %arg16[%get3A_90, %get3A_91] : memref<1x256xf32, #tpu.memory_space<vmem>>, vector<1x256xf32>
    %mul3A = vector.broadcast %add3A_82 : vector<2560x1xf32> to vector<2560x256xf32>
    %mul3A_93 = vector.broadcast %get3A_92 : vector<1x256xf32> to vector<2560x256xf32>
    %mul3A_94 = arith.mulf %mul3A, %mul3A_93 : vector<2560x256xf32>
    %add3A_95 = arith.addf %dot_general3A_89, %mul3A_94 : vector<2560x256xf32>
    %convert_element_type3A_96 = arith.truncf %add3A_95 : vector<2560x256xf32> to vector<2560x256xbf16>
    %swap3A_97 = arith.constant 0 : index
    %swap3A_98 = arith.constant 0 : index
    %swap3A_99 = vector.load %arg18[%swap3A_97, %swap3A_98] : memref<2560x256xbf16, #tpu.memory_space<vmem>>, vector<2560x256xbf16>
    tpu.vector_store %arg18[%swap3A_97, %swap3A_98], %convert_element_type3A_96 {strides = array<i32>} : memref<2560x256xbf16, #tpu.memory_space<vmem>>, vector<2560x256xbf16>,
    return
  }
  func.func @transform_0(%arg0: i32) -> (i32, i32) {
    %c0_i32 = arith.constant 0 : i32
    %c0_i32_0 = arith.constant 0 : i32
    return %arg0, %c0_i32 : i32, i32
  }
  func.func @transform_1(%arg0: i32) -> (i32, i32) {
    %c0_i32 = arith.constant 0 : i32
    %c0_i32_0 = arith.constant 0 : i32
    return %arg0, %c0_i32 : i32, i32
  }
  func.func @transform_2(%arg0: i32) -> (i32, i32) {
    %c0_i32 = arith.constant 0 : i32
    %c0_i32_0 = arith.constant 0 : i32
    return %arg0, %c0_i32 : i32, i32
  }
  func.func @transform_3(%arg0: i32) -> (i32, i32) {
    %c0_i32 = arith.constant 0 : i32
    %c0_i32_0 = arith.constant 0 : i32
    %c0_i32_1 = arith.constant 0 : i32
    return %c0_i32, %c0_i32_0 : i32, i32
  }
  func.func @transform_4(%arg0: i32) -> (i32, i32) {
    %c0_i32 = arith.constant 0 : i32
    %c0_i32_0 = arith.constant 0 : i32
    %c0_i32_1 = arith.constant 0 : i32
    return %c0_i32, %c0_i32_0 : i32, i32
  }
  func.func @transform_5(%arg0: i32) -> (i32, i32) {
    %c0_i32 = arith.constant 0 : i32
    %c0_i32_0 = arith.constant 0 : i32
    %c0_i32_1 = arith.constant 0 : i32
    return %c0_i32, %c0_i32_0 : i32, i32
  }
  func.func @transform_6(%arg0: i32) -> (i32, i32) {
    %c0_i32 = arith.constant 0 : i32
    %c0_i32_0 = arith.constant 0 : i32
    %c0_i32_1 = arith.constant 0 : i32
    return %c0_i32, %c0_i32_0 : i32, i32
  }
  func.func @transform_7(%arg0: i32) -> (i32, i32) {
    %c0_i32 = arith.constant 0 : i32
    %c0_i32_0 = arith.constant 0 : i32
    %c0_i32_1 = arith.constant 0 : i32
    return %c0_i32, %c0_i32_0 : i32, i32
  }
  func.func @transform_8(%arg0: i32) -> (i32, i32) {
    %c0_i32 = arith.constant 0 : i32
    %c0_i32_0 = arith.constant 0 : i32
    %c0_i32_1 = arith.constant 0 : i32
    return %c0_i32, %c0_i32_0 : i32, i32
  }
  func.func @transform_9(%arg0: i32) -> (i32, i32) {
    %c0_i32 = arith.constant 0 : i32
    %c0_i32_0 = arith.constant 0 : i32
    %c0_i32_1 = arith.constant 0 : i32
    return %c0_i32, %c0_i32_0 : i32, i32
  }
  func.func @transform_10(%arg0: i32) -> (i32, i32) {
    %c0_i32 = arith.constant 0 : i32
    %c0_i32_0 = arith.constant 0 : i32
    %c0_i32_1 = arith.constant 0 : i32
    return %c0_i32, %c0_i32_0 : i32, i32
  }
  func.func @transform_11(%arg0: i32) -> (i32, i32) {
    %c0_i32 = arith.constant 0 : i32
    %c0_i32_0 = arith.constant 0 : i32
    %c0_i32_1 = arith.constant 0 : i32
    return %c0_i32, %c0_i32_0 : i32, i32
  }
  func.func @transform_12(%arg0: i32) -> (i32, i32) {
    %c0_i32 = arith.constant 0 : i32
    %c0_i32_0 = arith.constant 0 : i32
    %c0_i32_1 = arith.constant 0 : i32
    return %c0_i32, %c0_i32_0 : i32, i32
  }
  func.func @transform_13(%arg0: i32) -> (i32, i32) {
    %c0_i32 = arith.constant 0 : i32
    %c0_i32_0 = arith.constant 0 : i32
    %c0_i32_1 = arith.constant 0 : i32
    return %c0_i32, %c0_i32_0 : i32, i32
  }
  func.func @transform_14(%arg0: i32) -> (i32, i32) {
    %c0_i32 = arith.constant 0 : i32
    %c0_i32_0 = arith.constant 0 : i32
    %c0_i32_1 = arith.constant 0 : i32
    return %c0_i32, %c0_i32_0 : i32, i32
  }
  func.func @transform_15(%arg0: i32) -> (i32, i32) {
    %c0_i32 = arith.constant 0 : i32
    %c0_i32_0 = arith.constant 0 : i32
    %c0_i32_1 = arith.constant 0 : i32
    return %c0_i32, %c0_i32_0 : i32, i32
  }
  func.func @transform_16(%arg0: i32) -> (i32, i32) {
    %c0_i32 = arith.constant 0 : i32
    %c0_i32_0 = arith.constant 0 : i32
    return %arg0, %c0_i32 : i32, i32
  }
  func.func @transform_17(%arg0: i32) -> (i32, i32) {
    %c0_i32 = arith.constant 0 : i32
    %c0_i32_0 = arith.constant 0 : i32
    return %arg0, %c0_i32 : i32, i32
  }
}

module attributes {stable_mosaic.version = 14 : i64} {
  func.func @_pass2_body(%arg0: i32, %arg1: memref<2560x256xbf16, #tpu.memory_space<vmem>>, %arg2: memref<2560x128xi32, #tpu.memory_space<vmem>>, %arg3: memref<80x256xf32, #tpu.memory_space<vmem>>, %arg4: memref<2560x80xbf16, #tpu.memory_space<vmem>>, %arg5: memref<1x256xf32, #tpu.memory_space<vmem>>, %arg6: memref<256x256xbf16, #tpu.memory_space<vmem>>, %arg7: memref<1x256xf32, #tpu.memory_space<vmem>>, %arg8: memref<256x1xbf16, #tpu.memory_space<vmem>>, %arg9: memref<1x1xf32, #tpu.memory_space<vmem>>, %arg10: memref<2560x1xf32, #tpu.memory_space<vmem>>) attributes {dimension_semantics = [#tpu.dimension_semantics<arbitrary>], iteration_bounds = array<i64: 125>, scalar_prefetch = 0 : i64, scratch_operands = 0 : i64, tpu.core_type = #tpu.core_type<tc>, window_params = [{transform_indices = @transform_0, window_bounds = array<i64: 2560, 256>}, {transform_indices = @transform_1, window_bounds = array<i64: 2560, 128>}, {transform_indices = @transform_2, window_bounds = array<i64: 80, 256>}, {pipeline_mode = #tpu.pipeline_mode<synchronous>, transform_indices = @transform_3, window_bounds = array<i64: 2560, 80>}, {pipeline_mode = #tpu.pipeline_mode<synchronous>, transform_indices = @transform_4, window_bounds = array<i64: 1, 256>}, {pipeline_mode = #tpu.pipeline_mode<synchronous>, transform_indices = @transform_5, window_bounds = array<i64: 256, 256>}, {pipeline_mode = #tpu.pipeline_mode<synchronous>, transform_indices = @transform_6, window_bounds = array<i64: 1, 256>}, {pipeline_mode = #tpu.pipeline_mode<synchronous>, transform_indices = @transform_7, window_bounds = array<i64: 256, 1>}, {pipeline_mode = #tpu.pipeline_mode<synchronous>, transform_indices = @transform_8, window_bounds = array<i64: 1, 1>}, {transform_indices = @transform_9, window_bounds = array<i64: 2560, 1>}]} {
    %get3A = arith.constant 0 : index
    %get3A_0 = arith.constant 0 : index
    %get3A_1 = vector.load %arg4[%get3A, %get3A_0] : memref<2560x80xbf16, #tpu.memory_space<vmem>>, vector<2560x80xbf16>
    %get3A_2 = arith.constant 0 : index
    %get3A_3 = arith.constant 0 : index
    %get3A_4 = vector.load %arg3[%get3A_2, %get3A_3] : memref<80x256xf32, #tpu.memory_space<vmem>>, vector<80x256xf32>
    %convert_element_type3A = arith.truncf %get3A_4 : vector<80x256xf32> to vector<80x256xbf16>
    %dot_general3A = arith.constant dense<0.000000e+00> : vector<2560x256xf32>
    %dot_general3A_5 = tpu.matmul %get3A_1, %convert_element_type3A, %dot_general3A {dimension_numbers = #tpu.dot_dimension_numbers<[1], [0], [0], [1], [0, 0, 1, 1], [], []>, transpose_lhs_hint = false} : vector<2560x80xbf16>, vector<80x256xbf16>, vector<2560x256xf32> -> vector<2560x256xf32>
    %get3A_6 = arith.constant 0 : index
    %get3A_7 = arith.constant 0 : index
    %get3A_8 = vector.load %arg1[%get3A_6, %get3A_7] : memref<2560x256xbf16, #tpu.memory_space<vmem>>, vector<2560x256xbf16>
    %convert_element_type3A_9 = arith.extf %get3A_8 : vector<2560x256xbf16> to vector<2560x256xf32>
    %get3A_10 = arith.constant 0 : index
    %get3A_11 = arith.constant 0 : index
    %get3A_12 = vector.load %arg2[%get3A_10, %get3A_11] : memref<2560x128xi32, #tpu.memory_space<vmem>>, vector<2560x128xi32>
    %shift_left3A = arith.constant 16 : i32
    %shift_left3A_13 = vector.broadcast %shift_left3A : i32 to vector<2560x128xi32>
    %shift_left3A_14 = arith.shli %get3A_12, %shift_left3A_13 : vector<2560x128xi32>
    %bitcast_convert_type3A = tpu.bitcast %shift_left3A_14 : vector<2560x128xi32> -> vector<2560x128xf32>
    %and3A = arith.constant -65536 : i32
    %and3A_15 = vector.broadcast %and3A : i32 to vector<2560x128xi32>
    %and3A_16 = arith.andi %get3A_12, %and3A_15 : vector<2560x128xi32>
    %bitcast_convert_type3A_17 = tpu.bitcast %and3A_16 : vector<2560x128xi32> -> vector<2560x128xf32>
    %concatenate3A = tpu.concatenate %bitcast_convert_type3A, %bitcast_convert_type3A_17 in 1 : vector<2560x128xf32>, vector<2560x128xf32> -> vector<2560x256xf32>
    %add3A = arith.addf %convert_element_type3A_9, %concatenate3A : vector<2560x256xf32>
    %add3A_18 = arith.addf %add3A, %dot_general3A_5 : vector<2560x256xf32>
    %get3A_19 = arith.constant 0 : index
    %get3A_20 = arith.constant 0 : index
    %get3A_21 = vector.load %arg5[%get3A_19, %get3A_20] : memref<1x256xf32, #tpu.memory_space<vmem>>, vector<1x256xf32>
    %add3A_22 = vector.broadcast %get3A_21 : vector<1x256xf32> to vector<2560x256xf32>
    %add3A_23 = arith.addf %add3A_18, %add3A_22 : vector<2560x256xf32>
    %max3A = arith.constant 0.000000e+00 : f32
    %max3A_24 = vector.broadcast %max3A : f32 to vector<2560x256xf32>
    %max3A_25 = arith.maximumf %add3A_23, %max3A_24 : vector<2560x256xf32>
    %convert_element_type3A_26 = arith.truncf %max3A_25 : vector<2560x256xf32> to vector<2560x256xbf16>
    %get3A_27 = arith.constant 0 : index
    %get3A_28 = arith.constant 0 : index
    %get3A_29 = vector.load %arg6[%get3A_27, %get3A_28] : memref<256x256xbf16, #tpu.memory_space<vmem>>, vector<256x256xbf16>
    %dot_general3A_30 = arith.constant dense<0.000000e+00> : vector<2560x256xf32>
    %dot_general3A_31 = tpu.matmul %convert_element_type3A_26, %get3A_29, %dot_general3A_30 {dimension_numbers = #tpu.dot_dimension_numbers<[1], [0], [0], [1], [0, 0, 1, 1], [], []>, transpose_lhs_hint = false} : vector<2560x256xbf16>, vector<256x256xbf16>, vector<2560x256xf32> -> vector<2560x256xf32>
    %get3A_32 = arith.constant 0 : index
    %get3A_33 = arith.constant 0 : index
    %get3A_34 = vector.load %arg7[%get3A_32, %get3A_33] : memref<1x256xf32, #tpu.memory_space<vmem>>, vector<1x256xf32>
    %add3A_35 = vector.broadcast %get3A_34 : vector<1x256xf32> to vector<2560x256xf32>
    %add3A_36 = arith.addf %dot_general3A_31, %add3A_35 : vector<2560x256xf32>
    %max3A_37 = arith.constant 0.000000e+00 : f32
    %max3A_38 = vector.broadcast %max3A_37 : f32 to vector<2560x256xf32>
    %max3A_39 = arith.maximumf %add3A_36, %max3A_38 : vector<2560x256xf32>
    %convert_element_type3A_40 = arith.truncf %max3A_39 : vector<2560x256xf32> to vector<2560x256xbf16>
    %get3A_41 = arith.constant 0 : index
    %get3A_42 = arith.constant 0 : index
    %get3A_43 = vector.load %arg8[%get3A_41, %get3A_42] : memref<256x1xbf16, #tpu.memory_space<vmem>>, vector<256x1xbf16>
    %dot_general3A_44 = arith.constant dense<0.000000e+00> : vector<2560x1xf32>
    %dot_general3A_45 = tpu.matmul %convert_element_type3A_40, %get3A_43, %dot_general3A_44 {dimension_numbers = #tpu.dot_dimension_numbers<[1], [0], [0], [1], [0, 0, 1, 1], [], []>, transpose_lhs_hint = false} : vector<2560x256xbf16>, vector<256x1xbf16>, vector<2560x1xf32> -> vector<2560x1xf32>
    %get3A_46 = arith.constant 0 : index
    %get3A_47 = arith.constant 0 : index
    %get3A_48 = vector.load %arg9[%get3A_46, %get3A_47] : memref<1x1xf32, #tpu.memory_space<vmem>>, vector<1x1xf32>
    %add3A_49 = vector.broadcast %get3A_48 : vector<1x1xf32> to vector<2560x1xf32>
    %add3A_50 = arith.addf %dot_general3A_45, %add3A_49 : vector<2560x1xf32>
    %swap3A = arith.constant 0 : index
    %swap3A_51 = arith.constant 0 : index
    %swap3A_52 = vector.load %arg10[%swap3A, %swap3A_51] : memref<2560x1xf32, #tpu.memory_space<vmem>>, vector<2560x1xf32>
    tpu.vector_store %arg10[%swap3A, %swap3A_51], %add3A_50 {strides = array<i32>} : memref<2560x1xf32, #tpu.memory_space<vmem>>, vector<2560x1xf32>,
    return
  }
  func.func @transform_0(%arg0: i32) -> (i32, i32) {
    %c0_i32 = arith.constant 0 : i32
    %c0_i32_0 = arith.constant 0 : i32
    return %arg0, %c0_i32 : i32, i32
  }
  func.func @transform_1(%arg0: i32) -> (i32, i32) {
    %c0_i32 = arith.constant 0 : i32
    %c0_i32_0 = arith.constant 0 : i32
    return %arg0, %c0_i32 : i32, i32
  }
  func.func @transform_2(%arg0: i32) -> (i32, i32) {
    %c0_i32 = arith.constant 0 : i32
    %c0_i32_0 = arith.constant 0 : i32
    return %arg0, %c0_i32 : i32, i32
  }
  func.func @transform_3(%arg0: i32) -> (i32, i32) {
    %c0_i32 = arith.constant 0 : i32
    %c0_i32_0 = arith.constant 0 : i32
    %c0_i32_1 = arith.constant 0 : i32
    return %c0_i32, %c0_i32_0 : i32, i32
  }
  func.func @transform_4(%arg0: i32) -> (i32, i32) {
    %c0_i32 = arith.constant 0 : i32
    %c0_i32_0 = arith.constant 0 : i32
    %c0_i32_1 = arith.constant 0 : i32
    return %c0_i32, %c0_i32_0 : i32, i32
  }
  func.func @transform_5(%arg0: i32) -> (i32, i32) {
    %c0_i32 = arith.constant 0 : i32
    %c0_i32_0 = arith.constant 0 : i32
    %c0_i32_1 = arith.constant 0 : i32
    return %c0_i32, %c0_i32_0 : i32, i32
  }
  func.func @transform_6(%arg0: i32) -> (i32, i32) {
    %c0_i32 = arith.constant 0 : i32
    %c0_i32_0 = arith.constant 0 : i32
    %c0_i32_1 = arith.constant 0 : i32
    return %c0_i32, %c0_i32_0 : i32, i32
  }
  func.func @transform_7(%arg0: i32) -> (i32, i32) {
    %c0_i32 = arith.constant 0 : i32
    %c0_i32_0 = arith.constant 0 : i32
    %c0_i32_1 = arith.constant 0 : i32
    return %c0_i32, %c0_i32_0 : i32, i32
  }
  func.func @transform_8(%arg0: i32) -> (i32, i32) {
    %c0_i32 = arith.constant 0 : i32
    %c0_i32_0 = arith.constant 0 : i32
    %c0_i32_1 = arith.constant 0 : i32
    return %c0_i32, %c0_i32_0 : i32, i32
  }
  func.func @transform_9(%arg0: i32) -> (i32, i32) {
    %c0_i32 = arith.constant 0 : i32
    %c0_i32_0 = arith.constant 0 : i32
    return %arg0, %c0_i32 : i32, i32
  }
}

</mosaic_0001>

<sc_bundles>
// kernel: kernel.11.cloned.1.call-start
scs
__scs_entry_jumppad:
0x0: {  	(pc) =	sbr.rel $0x88, $3  }
0x1: {  	(tag) =	ssettag $0x0;
	lr =	simm.s32 $0x1  }
0x2: {  	[smem:$0x3F8D] =	sst lr;
	_ =	strace $0xD0000000  }
0x3: {  	_ = 	snop  }
0x4: {  	_ = 	snop  }
0x5: {  	_ = 	snop  }
0x6: {  	_ = 	snop  }
0x7: {  	_ = 	snop  }
__scs_overlays_trampoline_lowered:
0x8: {  	[smem:$0x3F9C] =	sst s0  }
0x9: {  	[smem:$0x3F9D] =	sst s1  }
0xa: {  	[smem:$0x3F9E] =	sst s2  }
0xb: {  	[smem:$0x3F9F] =	sst s3  }
0xc: {  	[smem:$0x3FA0] =	sst s4  }
0xd: {  	[smem:$0x3FA1] =	sst s5  }
0xe: {  	[smem:$0x3FA2] =	sst s6  }
0xf: {  	[smem:$0x3FA3] =	sst s7  }
0x10: {  	[smem:$0x3FA4] =	sst s8  }
0x11: {  	[smem:$0x3FA5] =	sst s9;
	s0 =	simm.s32 @!p0 $0x0  }
0x12: {  	s1 =	sld [smem:$0x3F8B];
	s0 =	simm.s32 @p0 $0x1  }
0x13: {  	[smem:$0x3FA6] =	sst s0;
	s0 =	simm.s32 @!p1 $0x0  }
0x14: {  	s2 =	sld [smem:$0x3F8A];
	s0 =	simm.s32 @p1 $0x1  }
0x15: {  	[smem:$0x3FA7] =	sst s0;
	s0 =	simm.s32 @!p2 $0x0  }
0x16: {  	s3 =	sld [smem:$0x3FDB];
	s0 =	simm.s32 @p2 $0x1  }
0x17: {  	s4 =	simm.s32 $0x1BF5;
	[smem:$0x3FA9] =	sst s0  }
0x18: {  	s0 =	sld [smem:$0x3F8C];
	_ =	swait.ge [sflag:s4], $0x0  }
0x19: {  	s7 =	sld [smem:$0x3F8D]  }
0x1a: {  	s8 =	sadd.s32 $0xFFFFE003, lr  }
0x1b: {  	s9 =	sadd.s32 $0xFFFFFEF7, lr;
	s5 =	simm.s32 $0xFFFFFFFF;
	p2 =	slt.u32 s8, $0xFFFFF086  }
0x1c: {  	p1 =	slt.u32 s9, $0xF7A;
	s5 =	simm.s32 @!p2 $0x0  }
0x1d: {  	s5 =	simm.s32 @p1 $0x1;
	p0 =	seq.s32 s7, s2  }
0x1e: {  	s7 =	smul.u32 @!p0 $0xF7A, s2;
	p2 =	seq.s32 @!p0 s5, $0x0  }
0x1f: {  	s9 =	smul.u32 $0xF7A, s1;
	s8 =	simm.s32 @!p0 $0x1BF5;
	p2 =	por !p2, p0  }
0x20: {  	[sflag:s8] =	ssyncset.s32 @!p0 $0xFFFFF086;
	s6 =	sadd.s32 @!p0 s3, s7;
	s7 =	simm.s32 @!p0 $0x108  }
0x21: {  	s3 =	sadd.s32 s3, s9;
	s6 =	sadd.s32 @!p0 $0x88, s6;
	s7 =	simm.s32 @p2 $0x1082  }
0x22: {  	[simem:s7], [sflag:s8] =	dma.local @!p0 [hbm:s6], $0xF7A  }
0x23: {  	s9 =	sor.u32 $0xD0000000, s2;
	s6 =	simm.s32 $0x108;
	_ =	swait.ge @!p0 [sflag:s8], $0x0  }
0x24: {  	s3 =	sadd.s32 $0x88, s3;
	s6 =	simm.s32 @!p1 $0x1082;
	[sflag:s4] =	ssyncset.s32 $0xFFFFF086  }
0x25: {  	[simem:s6], [sflag:s4] =	dma.local [hbm:s3], $0xF7A  }
0x26: {  	[smem:$0x3F8D] =	sst s1;
	(tag) =	ssettag s2;
	_ =	strace s9  }
0x27: {  	s1 =	sld [smem:$0x3F9D]  }
0x28: {  	s2 =	sld [smem:$0x3F9E]  }
0x29: {  	s4 =	sld [smem:$0x3FA0]  }
0x2a: {  	p0 =	seq.s32 s5, $0x0;
	s5 =	sld [smem:$0x3FA1]  }
0x2b: {  	s6 =	sld [smem:$0x3FA2]  }
0x2c: {  	s7 =	sld [smem:$0x3FA3]  }
0x2d: {  	s3 =	simm.s32 $0x108;
	s8 =	sld [smem:$0x3FA4]  }
0x2e: {  	s3 =	simm.s32 @!p0 $0x1082;
	s9 =	sld [smem:$0x3FA5]  }
0x2f: {  	lr =	sadd.s32 s0, s3;
	s0 =	sld [smem:$0x3F9C]  }
0x30: {  	s3 =	sld [smem:$0x3F9F]  }
0x31: {  	[smem:$0x3FA8] =	sst s10  }
0x32: {  	s10 =	sld [smem:$0x3FA6];
	_ =	sdelay $0x3  }
0x33: {  	p0 =	seq.s32 s10, $0x1;
	s10 =	sld [smem:$0x3FA8];
	_ =	sdelay $0x3  }
0x34: {  	[smem:$0x3FA8] =	sst s10  }
0x35: {  	s10 =	sld [smem:$0x3FA7];
	_ =	sdelay $0x3  }
0x36: {  	p1 =	seq.s32 s10, $0x1;
	s10 =	sld [smem:$0x3FA8];
	_ =	sdelay $0x3  }
0x37: {  	[smem:$0x3FA8] =	sst s10  }
0x38: {  	s10 =	sld [smem:$0x3FA9]  }
0x39: {  	_ = 	snop;
	(pc) =	sbr.ind lr, $3  }
0x3a: {  	_ = 	snop  }
0x3b: {  	_ = 	snop  }
0x3c: {  	p2 =	seq.s32 s10, $0x1;
	s10 =	sld [smem:$0x3FA8]  }
0x3d: {  	_ =	shalt  }
0x3e: {  	_ =	shalt  }
0x3f: {  	_ =	shalt  }
0x40: {  	_ =	shalt  }
0x41: {  	_ =	shalt  }
0x42: {  	_ =	shalt  }
0x43: {  	_ =	shalt  }
0x44: {  	_ =	shalt  }
0x45: {  	_ =	shalt  }
0x46: {  	_ =	shalt  }
0x47: {  	_ =	shalt  }
0x48: {  	_ =	shalt  }
0x49: {  	_ =	shalt  }
0x4a: {  	_ =	shalt  }
0x4b: {  	_ =	shalt  }
0x4c: {  	_ =	shalt  }
0x4d: {  	_ =	shalt  }
0x4e: {  	_ =	shalt  }
0x4f: {  	_ =	shalt  }
0x50: {  	_ =	shalt  }
0x51: {  	_ =	shalt  }
0x52: {  	_ =	shalt  }
0x53: {  	_ =	shalt  }
0x54: {  	_ =	shalt  }
0x55: {  	_ =	shalt  }
0x56: {  	_ =	shalt  }
0x57: {  	_ =	shalt  }
0x58: {  	_ =	shalt  }
0x59: {  	_ =	shalt  }
0x5a: {  	_ =	shalt  }
0x5b: {  	_ =	shalt  }
0x5c: {  	_ =	shalt  }
0x5d: {  	_ =	shalt  }
0x5e: {  	_ =	shalt  }
0x5f: {  	_ =	shalt  }
0x60: {  	_ =	shalt  }
0x61: {  	_ =	shalt  }
0x62: {  	_ =	shalt  }
0x63: {  	_ =	shalt  }
0x64: {  	_ =	shalt  }
0x65: {  	_ =	shalt  }
0x66: {  	_ =	shalt  }
0x67: {  	_ =	shalt  }
0x68: {  	_ =	shalt  }
0x69: {  	_ =	shalt  }
0x6a: {  	_ =	shalt  }
0x6b: {  	_ =	shalt  }
0x6c: {  	_ =	shalt  }
0x6d: {  	_ =	shalt  }
0x6e: {  	_ =	shalt  }
0x6f: {  	_ =	shalt  }
0x70: {  	_ =	shalt  }
0x71: {  	_ =	shalt  }
0x72: {  	_ =	shalt  }
0x73: {  	_ =	shalt  }
0x74: {  	_ =	shalt  }
0x75: {  	_ =	shalt  }
0x76: {  	_ =	shalt  }
0x77: {  	_ =	shalt  }
0x78: {  	_ =	shalt  }
0x79: {  	_ =	shalt  }
0x7a: {  	_ =	shalt  }
0x7b: {  	_ =	shalt  }
0x7c: {  	_ =	shalt  }
0x7d: {  	_ =	shalt  }
0x7e: {  	_ =	shalt  }
0x7f: {  	_ =	shalt  }
0x80: {  	_ =	shalt  }
0x81: {  	_ =	shalt  }
0x82: {  	_ =	shalt  }
0x83: {  	_ =	shalt  }
0x84: {  	_ =	shalt  }
0x85: {  	_ =	shalt  }
0x86: {  	_ =	shalt  }
0x87: {  	_ =	shalt  }
.Lfunc_end0:
.L_simem_size_0:
called_computation.1_lowered:
.L_overlay_start_0:
0x88: {  	s2 =	sld [smem:$0x3FD9]  }
0x89: {  	s3 =	sld [smem:$0x3FFE];
	_ =	sdelay $0x1  }
0x8a: {  	s1 =	srdreg.scid  }
0x8b: {  	s0 =	sand.u32 $0x1, s1  }
0x8c: {  	s14 =	sshll.u32 s0, $0xA;
	s2 =	sadd.s32 s3, s2  }
0x8d: {  	s2 =	sadd.s32 s2, s14  }
0x8e: {  	[smem:$0x3FB4] =	sst s2  }
0x8f: {  	_ = 	snop  }
0x90: {  	s2 =	sld [smem:$0x3FD0];
	_ =	sdelay $0x2  }
0x91: {  	s15 =	simm.s32 $0xA;
	s4 =	simm.s32 $0x10  }
0x92: {  	[smem:s4], [sflag:s15] =	dma.local [hbm:s2], $0x1  }
0x93: {  	_ =	swait.eq [sflag:s15], $0x1  }
0x94: {  	[sflag:s15] =	ssyncset.done $0x0  }
0x95: {  	s16 =	sld [smem:$0x10];
	[sflag:s15] =	ssyncadd.s32 $0xFFFFFFFF  }
0x96: {  	s17 =	sld [smem:$0x13];
	(tm) =	ssettm $0x1  }
0x97: {  	s18 =	sld [smem:$0x3FFB];
	_ =	sdelay $0x3  }
0x98: {  	_ =	strace s18  }
0x99: {  	s4 =	sld [smem:$0x3FFC];
	_ =	sdelay $0x3  }
0x9a: {  	_ =	strace s4  }
0x9b: {  	s4 =	sld [smem:$0x3FFD];
	_ =	sdelay $0x3  }
0x9c: {  	_ =	strace s4  }
0x9d: {  	_ =	strace $0x8FFFFFFF  }
0x9e: {  	s19 =	sld [smem:$0x3FDB];
	_ =	sdelay $0x1  }
0x9f: {  	s5 =	simm.s32 $_scs_section_size  }
0xa0: {  	s6 =	simm.s32 $_size__tile_overlayer_lowered;
	s7 =	simm.s32 $_tile_overlayer_lowered  }
0xa1: {  	s22 =	simm.s32 $0x1BFF;
	s21 =	sshll.u32 s7, $0x1;
	s4 =	sadd.s32 s5, s19  }
0xa2: {  	s8 =	simm.s32 $0x0;
	s20 =	sshll.u32 s6, $0x1;
	s6 =	sadd.s32 s21, s4  }
0xa3: {  	[timem:s8], [sflag:s22] =	dma.local [hbm:s6], s20  }
0xa4: {  	_ =	swait.ge [sflag:s22], s20  }
0xa5: {  	s5 =	ssub.s32 $0x0, s20;
	[sflag:s22] =	ssyncset.done $0x0  }
0xa6: {  	[sflag:s22] =	ssyncadd.s32 s5;
	_ =	sdelay $0x1  }
0xa7: {  	s23 =	simm.s32 $0x1B8B  }
0xa8: {  	_ =	swait.ge [sflag:s23], $0x1  }
0xa9: {  	[sflag:s23] =	ssyncset.done $0x0  }
0xaa: {  	s25 =	simm.s32 $0x1B8E;
	s24 =	sld [smem:$0x3FFE];
	[sflag:s23] =	ssyncadd.s32 $0xFFFFFFFF  }
0xab: {  	s26 =	simm.s32 $execute0_lowered;
	[smem:$0x3FD2] =	sst s25  }
0xac: {  	s6 =	sshll.u32 s26, $0x1;
	_ =	strace $0x80000049;
	[dreg:$0x1] =	wrdreg $0xFFFFFFFF  }
0xad: {  	s28 =	simm.s32 $_size_execute0_lowered;
	s4 =	sadd.s32 s4, s6;
	[dreg:$0x0] =	wrdreg $0x0  }
0xae: {  	s6 =	sshll.u32 s28, $0x1;
	[dreg:$0x2] =	wrdreg s4  }
0xaf: {  	[dreg:$0x3] =	wrdreg s6  }
0xb0: {  	[dreg:$0x4] =	wrdreg $0xC0  }
0xb1: {  	_ =	task [dreg:s8], $0x5FFFF  }
0xb2: {  	[dreg:$0x1] =	wrdreg $0xFFFFFFFF  }
0xb3: {  	[dreg:$0x0] =	wrdreg $0x60  }
0xb4: {  	[dreg:$0x2] =	wrdreg s17  }
0xb5: {  	[dreg:$0x3] =	wrdreg s24  }
0xb6: {  	[dreg:$0x4] =	wrdreg s16  }
0xb7: {  	[dreg:$0x5] =	wrdreg $0x1000  }
0xb8: {  	[dreg:$0x6] =	wrdreg $0x9  }
0xb9: {  	_ =	task.clear_ibuf [dreg:s8], $0x7FFFF;
	_ =	strace $0x90000049  }
0xba: {  	s29 =	simm.s32 $0x9;
	_ =	strace $0x8000004B  }
0xbb: {  	_ =	swait.ge [sflag:s29], $0x1  }
0xbc: {  	[sflag:s29] =	ssyncadd.s32 $0xFFFFFFFF  }
0xbd: {  	_ =	strace $0x9000004B  }
0xbe: {  	_ =	sfence  }
0xbf: {  	s30 =	sld [smem:$0x0];
	_ =	sdelay $0x2  }
0xc0: {  	s31 =	sshll.u32 s1, $0xD;
	s1 =	sshrl.u32 s1, $0x2  }
0xc1: {  	s3 =	sand.u32 $0x4000, s31;
	s1 =	sadd.s32 s1, s30  }
0xc2: {  	s0 =	sor.u32 s3, s0;
	s1 =	sshll.u32 s1, $0x11  }
0xc3: {  	s0 =	sor.u32 s1, s0  }
0xc4: {  	s0 =	sadd.s32 $0x8F2B, s0  }
0xc5: {  	[sflag:s0] =	ssyncadd.remote.s32 $0x1  }
0xc6: {  	_ =	sfence.sel $0xFFFF  }
0xc7: {  	[dreg:$0x0] =	wrdreg $0xFFFFFFFF;
	(pc) =	sbr.abs _section_cstart, $3  }
0xc8: {  	[dreg:$0x1] =	wrdreg $0xFFFFFFFF  }
0xc9: {  	_ =	task.clear_ibuf [dreg:s8], $0x2FFFF;
	_ =	strace $0x9FFFFFFF  }
0xca: {  	(tm) =	ssettm $0x7FFFFFFF  }
0xcb: {  	_ =	shalt  }
tec
execute0_lowered:
.L_overlay_start_1:
0x0: {  	(tag) =	ssettag $0x1  }
0x1: {  	s6 =	rddreg [dreg:$0x0]  }
0x2: {  	s3 =	rddreg [dreg:$0x1]  }
0x3: {  	s0 =	srdreg.scid;
	s4 =	rddreg [dreg:$0x2]  }
0x4: {  	s7 =	stileid.u32;
	s1 =	rddreg [dreg:$0x3];
	s2 =	simm.s32 $0x0  }
0x5: {  	s12 =	simm.s32 $0x0;
	s5 =	sand.u32 $0x1, s0;
	s0 =	rddreg [dreg:$0x4]  }
0x6: {  	s8 =	smul.u32 $0x4E20, s7;
	[smem:$0x7FF] =	sst s2;
	p0 =	sne.s32 s7, $0x0  }
0x7: {  	s9 =	smul.u32 $0x2710, s5;
	s31 =	ssub.s32 $0x2, s5;
	s5 =	sshll.u32 s5, $0x4  }
0x8: {  	_ =	strace $0x8000004A;
	s11 =	sshrl.u32 s31, $0x1;
	s4 =	sadd.s32 s4, s5  }
0x9: {  	s8 =	sadd.s32 s9, s8;
	s9 =	ssub.s32 s31, s11;
	s11 =	simm.s32 $0x50  }
0xa: {  	s8 =	sshrl.u32 s8, $0x3;
	s5 =	smax.u32 s9, $0x1;
	s9 =	simm.s32 $0x1  }
0xb: {  	s10 =	sadd.s32 s8, s3;
	s3 =	sadd.s32 $0x4800, s3;
	s6 =	sadd.s32 s8, s6  }
0xc: {  	s8 =	sshrl.u32 @!p0 s1, $0x3;
	s7 =	sadd.s32 $0x52D400, s10;
	s10 =	simm.s32 $0x80  }
.LBB2_1:
0xd: {  	s13 =	simm.s32 @!p0 $0x1C01  }
0xe: {  	[spmem:s8], [sflag:s13] =	dma.local @!p0 [hbm:s3], $0x4F0  }
0xf: {  	s13 =	simm.s32 @!p0 $0x1  }
0x10: {  	_ =	swait.ge @!p0 [sflag:s13], $0x4F0  }
0x11: {  	[sflag:s13] =	ssyncset.done @!p0 $0x0  }
0x12: {  	[sflag:s13] =	ssyncadd.s32 @!p0 $0xFFFFFB10  }
0x13: {  	s30 =	sadd.s32 $0x0, s7;
	[bflag:$0x0] =	sbarrier.arrive $0xFFFF  }
0x14: {  	[tilespmem:s2], [sflag:$0x1] =	stream.linear.gather [hbm4b:s30+s2], $0x50, $0x38;
	[tilespmem:$0x378] =	vst v63  }
0x15: {  	_ =	swait.ge [sflag:s9], $0x50  }
0x16: {  	[sflag:s9] =	ssyncset.done $0x0  }
0x17: {  	s31 =	sadd.s32 $0x0, s6;
	[sflag:s9] =	ssyncadd.s32 $0xFFFFFFB0  }
0x18: {  	[tilespmem:s10], [sflag:$0x1] =	stream.linear.gather [hbm4b:s31+s2], $0x50, $0x38;
	[tilespmem:$0x378] =	vst v63  }
0x19: {  	_ =	swait.ge [sflag:s9], $0x50  }
0x1a: {  	[sflag:s9] =	ssyncset.done $0x0  }
0x1b: {  	[sflag:s9] =	ssyncadd.s32 $0xFFFFFFB0  }
0x1c: {  	[spmem:s1] =	stream.indirect.scatter.add.f32 [tilespmem:s10], [sflag:$0x1], $0x1, s2, s11, $0xb8;
	[tilespmem:$0x378] =	vst v63  }
0x1d: {  	_ =	swait.ge [sflag:s9], $0x50  }
0x1e: {  	s14 =	simm.s32 $0x14;
	s13 =	simm.s32 $0xA;
	[sflag:s9] =	ssyncset.done $0x0  }
.LBB2_2:
0x1f: {  	s15 =	sadd.s32 s13, s7  }
0x20: {  	[sflag:s9] =	ssyncadd.s32 $0xFFFFFFB0;
	s16 =	smov.u32 s14;
	s17 =	sadd.s32 $0xA, s14  }
0x21: {  	[tilespmem:s2], [sflag:$0x1] =	stream.linear.gather [hbm4b:s15+s2], $0x50, $0x38;
	[tilespmem:$0x378] =	vst v63  }
0x22: {  	p1 =	sne.s32 s14, $0x4D8;
	_ =	swait.ge [sflag:s9], $0x50  }
0x23: {  	[sflag:s9] =	ssyncset.done $0x0  }
0x24: {  	s14 =	sadd.s32 s13, s6;
	s13 =	smov.u32 s16;
	[sflag:s9] =	ssyncadd.s32 $0xFFFFFFB0  }
0x25: {  	[tilespmem:s10], [sflag:$0x1] =	stream.linear.gather [hbm4b:s14+s2], $0x50, $0x38;
	[tilespmem:$0x378] =	vst v63  }
0x26: {  	_ =	swait.ge [sflag:s9], $0x50  }
.Ltmp0:
0x27: {  	[sflag:s9] =	ssyncset.done $0x0;
	(pc) =	sbr.rel @p1 .LBB2_2-.Ltmp0, $4  }
0x28: {  	[sflag:s9] =	ssyncadd.s32 $0xFFFFFFB0  }
0x29: {  	[spmem:s1] =	stream.indirect.scatter.add.f32 [tilespmem:s10], [sflag:$0x1], $0x1, s2, s11, $0xb8;
	[tilespmem:$0x378] =	vst v63  }
0x2a: {  	_ =	swait.ge [sflag:s9], $0x50  }
0x2b: {  	s14 =	smov.u32 s17;
	[sflag:s9] =	ssyncset.done $0x0  }
0x2c: {  	s14 =	sadd.s32 s13, s7;
	[sflag:s9] =	ssyncadd.s32 $0xFFFFFFB0  }
0x2d: {  	[tilespmem:s2], [sflag:$0x1] =	stream.linear.gather [hbm4b:s14+s2], $0x50, $0x38;
	[tilespmem:$0x378] =	vst v63  }
0x2e: {  	_ =	swait.ge [sflag:s9], $0x50  }
0x2f: {  	[sflag:s9] =	ssyncset.done $0x0  }
0x30: {  	s31 =	sadd.s32 s13, s6;
	[sflag:s9] =	ssyncadd.s32 $0xFFFFFFB0  }
0x31: {  	[tilespmem:s10], [sflag:$0x1] =	stream.linear.gather [hbm4b:s31+s2], $0x50, $0x38;
	[tilespmem:$0x378] =	vst v63  }
0x32: {  	_ =	swait.ge [sflag:s9], $0x50  }
0x33: {  	[sflag:s9] =	ssyncset.done $0x0  }
0x34: {  	[sflag:s9] =	ssyncadd.s32 $0xFFFFFFB0  }
0x35: {  	[spmem:s1] =	stream.indirect.scatter.add.f32 [tilespmem:s10], [sflag:$0x1], $0x1, s2, s11, $0xb8;
	[tilespmem:$0x378] =	vst v63  }
0x36: {  	s13 =	simm.s32 @!p0 $0x1;
	_ =	swait.ge [sflag:s9], $0x50  }
0x37: {  	s15 =	simm.s32 @!p0 $0x10;
	s12 =	sadd.s32 $0x1, s12;
	[sflag:s9] =	ssyncset.done $0x0  }
0x38: {  	s16 =	simm.s32 @!p0 $0x1C01;
	p1 =	sne.s32 s12, s5;
	[sflag:s9] =	ssyncadd.s32 $0xFFFFFFB0  }
.Ltmp1:
0x39: {  	s14 =	simm.s32 @!p0 $0x20;
	[bflag:$0x0] =	sbarrier.arrive $0xFFFF;
	(pc) =	sbr.rel @p1 .LBB2_1-.Ltmp1, $4  }
0x3a: {  	[hbm:s4@s14], [sflag:s16] =	dma.strided @!p0 [spmem:s8@s15], $0x4F0, s13, $0x10   }
0x3b: {  	_ =	swait.ge @!p0 [sflag:s13], $0x4F0  }
0x3c: {  	[sflag:s13] =	ssyncset.done @!p0 $0x0  }
0x3d: {  	[sflag:s13] =	ssyncadd.s32 @!p0 $0xFFFFFB10  }
0x3e: {  	_ =	sfence.sel $0x180000  }
0x3f: {  	[bflag:$0x0] =	sbarrier.arrive $0xFFFF  }
0x40: {  	_ =	strace $0x9000004A  }
0x41: {  	s0 =	sadd.s32 @!p0 $0x100000, s0;
	[bflag:$0x2] =	sbarrier.arrive $0xFFFF  }
0x42: {  	[sflag:s0] =	ssyncadd.tile.s32 @!p0 $0x1;
	_ =	shalt  }
.Lfunc_end2:
_tile_overlayer_lowered:
.L_overlay_start_2:
0x43: {  	(tag) =	ssettag $0x2  }
0x44: {  	s0 =	rddreg [dreg:$0x0];
	s2 =	stileid.u32  }
0x45: {  	s1 =	rddreg [dreg:$0x1];
	p0 =	sne.s32 s2, $0x0  }
0x46: {  	s3 =	rddreg [dreg:$0x2];
	[bflag:$0x3] =	sbarrier.arrive $0xFFFF;
	s2 =	simm.s32 @!p0 $0x1C01  }
0x47: {  	[timem:s3], [sflag:s2] =	dma.local @!p0 [hbm:s0], s1  }
0x48: {  	s0 =	simm.s32 @!p0 $0x1  }
0x49: {  	_ =	swait.ge @!p0 [sflag:s0], s1  }
0x4a: {  	s1 =	ssub.s32 @!p0 $0x0, s1;
	[sflag:s0] =	ssyncset.done @!p0 $0x0  }
0x4b: {  	[sflag:s0] =	ssyncadd.s32 @!p0 s1  }
0x4c: {  	[bflag:$0x3] =	sbarrier.arrive $0xFFFF  }
0x4d: {  	_ =	shalt  }

// kernel: kernel.14.cloned.1.call-start
scs
__scs_entry_jumppad:
0x0: {  	(pc) =	sbr.rel $0x88, $3  }
0x1: {  	(tag) =	ssettag $0x0;
	lr =	simm.s32 $0x1  }
0x2: {  	[smem:$0x3F8D] =	sst lr;
	_ =	strace $0xD0000000  }
0x3: {  	_ = 	snop  }
0x4: {  	_ = 	snop  }
0x5: {  	_ = 	snop  }
0x6: {  	_ = 	snop  }
0x7: {  	_ = 	snop  }
__scs_overlays_trampoline_lowered:
0x8: {  	[smem:$0x3F9C] =	sst s0  }
0x9: {  	[smem:$0x3F9D] =	sst s1  }
0xa: {  	[smem:$0x3F9E] =	sst s2  }
0xb: {  	[smem:$0x3F9F] =	sst s3  }
0xc: {  	[smem:$0x3FA0] =	sst s4  }
0xd: {  	[smem:$0x3FA1] =	sst s5  }
0xe: {  	[smem:$0x3FA2] =	sst s6  }
0xf: {  	[smem:$0x3FA3] =	sst s7  }
0x10: {  	[smem:$0x3FA4] =	sst s8  }
0x11: {  	[smem:$0x3FA5] =	sst s9;
	s0 =	simm.s32 @!p0 $0x0  }
0x12: {  	s1 =	sld [smem:$0x3F8B];
	s0 =	simm.s32 @p0 $0x1  }
0x13: {  	[smem:$0x3FA6] =	sst s0;
	s0 =	simm.s32 @!p1 $0x0  }
0x14: {  	s2 =	sld [smem:$0x3F8A];
	s0 =	simm.s32 @p1 $0x1  }
0x15: {  	[smem:$0x3FA7] =	sst s0;
	s0 =	simm.s32 @!p2 $0x0  }
0x16: {  	s3 =	sld [smem:$0x3FDB];
	s0 =	simm.s32 @p2 $0x1  }
0x17: {  	s4 =	simm.s32 $0x1BF5;
	[smem:$0x3FA9] =	sst s0  }
0x18: {  	s0 =	sld [smem:$0x3F8C];
	_ =	swait.ge [sflag:s4], $0x0  }
0x19: {  	s7 =	sld [smem:$0x3F8D]  }
0x1a: {  	s8 =	sadd.s32 $0xFFFFE003, lr  }
0x1b: {  	s9 =	sadd.s32 $0xFFFFFEF7, lr;
	s5 =	simm.s32 $0xFFFFFFFF;
	p2 =	slt.u32 s8, $0xFFFFF086  }
0x1c: {  	p1 =	slt.u32 s9, $0xF7A;
	s5 =	simm.s32 @!p2 $0x0  }
0x1d: {  	s5 =	simm.s32 @p1 $0x1;
	p0 =	seq.s32 s7, s2  }
0x1e: {  	s7 =	smul.u32 @!p0 $0xF7A, s2;
	p2 =	seq.s32 @!p0 s5, $0x0  }
0x1f: {  	s9 =	smul.u32 $0xF7A, s1;
	s8 =	simm.s32 @!p0 $0x1BF5;
	p2 =	por !p2, p0  }
0x20: {  	[sflag:s8] =	ssyncset.s32 @!p0 $0xFFFFF086;
	s6 =	sadd.s32 @!p0 s3, s7;
	s7 =	simm.s32 @!p0 $0x108  }
0x21: {  	s3 =	sadd.s32 s3, s9;
	s6 =	sadd.s32 @!p0 $0x88, s6;
	s7 =	simm.s32 @p2 $0x1082  }
0x22: {  	[simem:s7], [sflag:s8] =	dma.local @!p0 [hbm:s6], $0xF7A  }
0x23: {  	s9 =	sor.u32 $0xD0000000, s2;
	s6 =	simm.s32 $0x108;
	_ =	swait.ge @!p0 [sflag:s8], $0x0  }
0x24: {  	s3 =	sadd.s32 $0x88, s3;
	s6 =	simm.s32 @!p1 $0x1082;
	[sflag:s4] =	ssyncset.s32 $0xFFFFF086  }
0x25: {  	[simem:s6], [sflag:s4] =	dma.local [hbm:s3], $0xF7A  }
0x26: {  	[smem:$0x3F8D] =	sst s1;
	(tag) =	ssettag s2;
	_ =	strace s9  }
0x27: {  	s1 =	sld [smem:$0x3F9D]  }
0x28: {  	s2 =	sld [smem:$0x3F9E]  }
0x29: {  	s4 =	sld [smem:$0x3FA0]  }
0x2a: {  	p0 =	seq.s32 s5, $0x0;
	s5 =	sld [smem:$0x3FA1]  }
0x2b: {  	s6 =	sld [smem:$0x3FA2]  }
0x2c: {  	s7 =	sld [smem:$0x3FA3]  }
0x2d: {  	s3 =	simm.s32 $0x108;
	s8 =	sld [smem:$0x3FA4]  }
0x2e: {  	s3 =	simm.s32 @!p0 $0x1082;
	s9 =	sld [smem:$0x3FA5]  }
0x2f: {  	lr =	sadd.s32 s0, s3;
	s0 =	sld [smem:$0x3F9C]  }
0x30: {  	s3 =	sld [smem:$0x3F9F]  }
0x31: {  	[smem:$0x3FA8] =	sst s10  }
0x32: {  	s10 =	sld [smem:$0x3FA6];
	_ =	sdelay $0x3  }
0x33: {  	p0 =	seq.s32 s10, $0x1;
	s10 =	sld [smem:$0x3FA8];
	_ =	sdelay $0x3  }
0x34: {  	[smem:$0x3FA8] =	sst s10  }
0x35: {  	s10 =	sld [smem:$0x3FA7];
	_ =	sdelay $0x3  }
0x36: {  	p1 =	seq.s32 s10, $0x1;
	s10 =	sld [smem:$0x3FA8];
	_ =	sdelay $0x3  }
0x37: {  	[smem:$0x3FA8] =	sst s10  }
0x38: {  	s10 =	sld [smem:$0x3FA9]  }
0x39: {  	_ = 	snop;
	(pc) =	sbr.ind lr, $3  }
0x3a: {  	_ = 	snop  }
0x3b: {  	_ = 	snop  }
0x3c: {  	p2 =	seq.s32 s10, $0x1;
	s10 =	sld [smem:$0x3FA8]  }
0x3d: {  	_ =	shalt  }
0x3e: {  	_ =	shalt  }
0x3f: {  	_ =	shalt  }
0x40: {  	_ =	shalt  }
0x41: {  	_ =	shalt  }
0x42: {  	_ =	shalt  }
0x43: {  	_ =	shalt  }
0x44: {  	_ =	shalt  }
0x45: {  	_ =	shalt  }
0x46: {  	_ =	shalt  }
0x47: {  	_ =	shalt  }
0x48: {  	_ =	shalt  }
0x49: {  	_ =	shalt  }
0x4a: {  	_ =	shalt  }
0x4b: {  	_ =	shalt  }
0x4c: {  	_ =	shalt  }
0x4d: {  	_ =	shalt  }
0x4e: {  	_ =	shalt  }
0x4f: {  	_ =	shalt  }
0x50: {  	_ =	shalt  }
0x51: {  	_ =	shalt  }
0x52: {  	_ =	shalt  }
0x53: {  	_ =	shalt  }
0x54: {  	_ =	shalt  }
0x55: {  	_ =	shalt  }
0x56: {  	_ =	shalt  }
0x57: {  	_ =	shalt  }
0x58: {  	_ =	shalt  }
0x59: {  	_ =	shalt  }
0x5a: {  	_ =	shalt  }
0x5b: {  	_ =	shalt  }
0x5c: {  	_ =	shalt  }
0x5d: {  	_ =	shalt  }
0x5e: {  	_ =	shalt  }
0x5f: {  	_ =	shalt  }
0x60: {  	_ =	shalt  }
0x61: {  	_ =	shalt  }
0x62: {  	_ =	shalt  }
0x63: {  	_ =	shalt  }
0x64: {  	_ =	shalt  }
0x65: {  	_ =	shalt  }
0x66: {  	_ =	shalt  }
0x67: {  	_ =	shalt  }
0x68: {  	_ =	shalt  }
0x69: {  	_ =	shalt  }
0x6a: {  	_ =	shalt  }
0x6b: {  	_ =	shalt  }
0x6c: {  	_ =	shalt  }
0x6d: {  	_ =	shalt  }
0x6e: {  	_ =	shalt  }
0x6f: {  	_ =	shalt  }
0x70: {  	_ =	shalt  }
0x71: {  	_ =	shalt  }
0x72: {  	_ =	shalt  }
0x73: {  	_ =	shalt  }
0x74: {  	_ =	shalt  }
0x75: {  	_ =	shalt  }
0x76: {  	_ =	shalt  }
0x77: {  	_ =	shalt  }
0x78: {  	_ =	shalt  }
0x79: {  	_ =	shalt  }
0x7a: {  	_ =	shalt  }
0x7b: {  	_ =	shalt  }
0x7c: {  	_ =	shalt  }
0x7d: {  	_ =	shalt  }
0x7e: {  	_ =	shalt  }
0x7f: {  	_ =	shalt  }
0x80: {  	_ =	shalt  }
0x81: {  	_ =	shalt  }
0x82: {  	_ =	shalt  }
0x83: {  	_ =	shalt  }
0x84: {  	_ =	shalt  }
0x85: {  	_ =	shalt  }
0x86: {  	_ =	shalt  }
0x87: {  	_ =	shalt  }
.Lfunc_end0:
.L_simem_size_0:
called_computation.2_lowered:
.L_overlay_start_0:
0x88: {  	s2 =	sld [smem:$0x3FD9]  }
0x89: {  	s3 =	sld [smem:$0x3FFE];
	_ =	sdelay $0x1  }
0x8a: {  	s1 =	srdreg.scid  }
0x8b: {  	s0 =	sand.u32 $0x1, s1  }
0x8c: {  	s14 =	sshll.u32 s0, $0xA;
	s2 =	sadd.s32 s3, s2  }
0x8d: {  	s2 =	sadd.s32 s2, s14  }
0x8e: {  	[smem:$0x3FB4] =	sst s2  }
0x8f: {  	_ = 	snop  }
0x90: {  	s2 =	sld [smem:$0x3FD0];
	_ =	sdelay $0x2  }
0x91: {  	s15 =	simm.s32 $0xA;
	s4 =	simm.s32 $0x10  }
0x92: {  	[smem:s4], [sflag:s15] =	dma.local [hbm:s2], $0x1  }
0x93: {  	_ =	swait.eq [sflag:s15], $0x1  }
0x94: {  	[sflag:s15] =	ssyncset.done $0x0  }
0x95: {  	[sflag:s15] =	ssyncadd.s32 $0xFFFFFFFF  }
0x96: {  	s16 =	sld [smem:$0x10];
	(tm) =	ssettm $0x1  }
0x97: {  	s17 =	sld [smem:$0x3FFB];
	_ =	sdelay $0x3  }
0x98: {  	_ =	strace s17  }
0x99: {  	s3 =	sld [smem:$0x3FFC];
	_ =	sdelay $0x3  }
0x9a: {  	_ =	strace s3  }
0x9b: {  	s3 =	sld [smem:$0x3FFD];
	_ =	sdelay $0x3  }
0x9c: {  	_ =	strace s3  }
0x9d: {  	_ =	strace $0x8FFFFFFF  }
0x9e: {  	s18 =	sld [smem:$0x3FDB];
	_ =	sdelay $0x1  }
0x9f: {  	s19 =	simm.s32 $_scs_section_size  }
0xa0: {  	s5 =	simm.s32 $_size__tile_overlayer_lowered;
	s6 =	simm.s32 $_tile_overlayer_lowered  }
0xa1: {  	s22 =	simm.s32 $0x1BFF;
	s21 =	sshll.u32 s6, $0x1;
	s3 =	sadd.s32 s19, s18  }
0xa2: {  	s7 =	simm.s32 $0x0;
	s20 =	sshll.u32 s5, $0x1;
	s5 =	sadd.s32 s21, s3  }
0xa3: {  	[timem:s7], [sflag:s22] =	dma.local [hbm:s5], s20  }
0xa4: {  	_ =	swait.ge [sflag:s22], s20  }
0xa5: {  	s4 =	ssub.s32 $0x0, s20;
	[sflag:s22] =	ssyncset.done $0x0  }
0xa6: {  	[sflag:s22] =	ssyncadd.s32 s4;
	_ =	sdelay $0x1  }
0xa7: {  	s23 =	simm.s32 $0x1B8B  }
0xa8: {  	_ =	swait.ge [sflag:s23], $0x1  }
0xa9: {  	[sflag:s23] =	ssyncset.done $0x0  }
0xaa: {  	s25 =	simm.s32 $0x1B8E;
	s24 =	sld [smem:$0x3FFE];
	[sflag:s23] =	ssyncadd.s32 $0xFFFFFFFF  }
0xab: {  	s26 =	simm.s32 $execute0_lowered;
	[smem:$0x3FD2] =	sst s25  }
0xac: {  	s5 =	sshll.u32 s26, $0x1;
	_ =	strace $0x8000004C;
	[dreg:$0x1] =	wrdreg $0xFFFFFFFF  }
0xad: {  	s28 =	simm.s32 $_size_execute0_lowered;
	s3 =	sadd.s32 s3, s5;
	[dreg:$0x0] =	wrdreg $0x0  }
0xae: {  	s5 =	sshll.u32 s28, $0x1;
	[dreg:$0x2] =	wrdreg s3  }
0xaf: {  	[dreg:$0x3] =	wrdreg s5  }
0xb0: {  	[dreg:$0x4] =	wrdreg $0xC0  }
0xb1: {  	_ =	task [dreg:s7], $0x5FFFF  }
0xb2: {  	[dreg:$0x1] =	wrdreg $0xFFFFFFFF  }
0xb3: {  	[dreg:$0x0] =	wrdreg $0x60  }
0xb4: {  	[dreg:$0x2] =	wrdreg s16  }
0xb5: {  	[dreg:$0x3] =	wrdreg s24  }
0xb6: {  	[dreg:$0x4] =	wrdreg $0x9  }
0xb7: {  	_ =	task.clear_ibuf [dreg:s7], $0x5FFFF;
	_ =	strace $0x9000004C  }
0xb8: {  	s29 =	simm.s32 $0x9;
	_ =	strace $0x8000004E  }
0xb9: {  	_ =	swait.ge [sflag:s29], $0x1  }
0xba: {  	[sflag:s29] =	ssyncadd.s32 $0xFFFFFFFF  }
0xbb: {  	_ =	strace $0x9000004E  }
0xbc: {  	_ =	sfence  }
0xbd: {  	s30 =	sld [smem:$0x0];
	_ =	sdelay $0x2  }
0xbe: {  	s31 =	sshll.u32 s1, $0xD;
	s1 =	sshrl.u32 s1, $0x2  }
0xbf: {  	s3 =	sand.u32 $0x4000, s31;
	s1 =	sadd.s32 s1, s30  }
0xc0: {  	s0 =	sor.u32 s3, s0;
	s1 =	sshll.u32 s1, $0x11  }
0xc1: {  	s0 =	sor.u32 s1, s0  }
0xc2: {  	s0 =	sadd.s32 $0x8F2B, s0  }
0xc3: {  	[sflag:s0] =	ssyncadd.remote.s32 $0x1  }
0xc4: {  	_ =	sfence.sel $0xFFFF  }
0xc5: {  	[dreg:$0x0] =	wrdreg $0xFFFFFFFF;
	(pc) =	sbr.abs _section_cstart, $3  }
0xc6: {  	[dreg:$0x1] =	wrdreg $0xFFFFFFFF  }
0xc7: {  	_ =	task.clear_ibuf [dreg:s7], $0x2FFFF;
	_ =	strace $0x9FFFFFFF  }
0xc8: {  	(tm) =	ssettm $0x7FFFFFFF  }
0xc9: {  	_ =	shalt  }
tec
execute0_lowered:
.L_overlay_start_1:
0x0: {  	(tag) =	ssettag $0x1  }
0x1: {  	s2 =	rddreg [dreg:$0x0]  }
0x2: {  	s4 =	rddreg [dreg:$0x1]  }
0x3: {  	s0 =	rddreg [dreg:$0x2]  }
0x4: {  	s5 =	srdreg.scid;
	s1 =	stileid.u32;
	s3 =	simm.s32 $0x0  }
0x5: {  	s12 =	simm.s32 $0x1;
	s13 =	simm.s32 $0x80;
	s14 =	simm.s32 $0x9400  }
0x6: {  	s15 =	simm.s32 $0x2;
	s16 =	simm.s32 $0x3;
	s17 =	simm.s32 $0x4  }
0x7: {  	s18 =	simm.s32 $0x0;
	s5 =	sand.u32 $0x1, s5;
	s6 =	sshll.u32 s1, $0x1  }
0x8: {  	[smem:$0x7FF] =	sst s3;
	s9 =	sadd.s32 $0x4B400, s4;
	s10 =	smul.u32 $0x4E200, s1  }
0x9: {  	s6 =	sor.u32 s5, s6;
	_ =	strace $0x8000004D;
	s11 =	smul.u32 $0x27100, s5  }
0xa: {  	s8 =	ssub.s32 $0x2, s5;
	s7 =	sshll.u32 s6, $0xC;
	s6 =	smul.u32 $0x27100, s6  }
0xb: {  	s30 =	sshrl.u32 s8, $0x1;
	s31 =	sadd.s32 s10, s9;
	s7 =	sadd.s32 s7, s4  }
0xc: {  	s10 =	simm.s32 $0x28;
	s8 =	ssub.s32 s8, s30;
	s4 =	sadd.s32 $0x2B400, s7  }
0xd: {  	s5 =	smax.u32 s8, $0x1;
	s6 =	sadd.s32 s9, s6;
	s8 =	sadd.s32 s11, s31  }
0xe: {  	s9 =	simm.s32 $0x5;
	s11 =	simm.s32 $0x8000;
	s7 =	sadd.s32 $0x280, s6  }
.LBB2_1:
0xf: {  	[tilespmem:s3], [sflag:$0x5] =	stream.linear.gather [hbm4b:s4+s3], $0x7D00, $0x38;
	[tilespmem:$0xA800] =	vst v63  }
0x10: {  	_ =	swait.ge [sflag:s9], $0x7D00  }
0x11: {  	[sflag:s9] =	ssyncset.done $0x0  }
0x12: {  	[sflag:s9] =	ssyncadd.s32 $0xFFFF8300  }
0x13: {  	[tilespmem:s11], [sflag:$0x1] =	stream.indirect.gather [hbm4b:s2+s10], $0x80, s3, s10, $0xb8;
	[tilespmem:$0xA800] =	vst v63  }
0x14: {  	_ =	swait.ge [sflag:s12], $0x1400  }
0x15: {  	[sflag:s12] =	ssyncset.done $0x0  }
0x16: {  	[sflag:s12] =	ssyncadd.s32 $0xFFFFEC00  }
0x17: {  	[hbm4b:s6+s3] =	stream.linear.scatter [tilespmem:s11], [sflag:$0x3], $0x1400, $0x38;
	[tilespmem:$0xA800] =	vst v63  }
0x18: {  	_ = 	snop  }
0x19: {  	[tilespmem:s14], [sflag:$0x2] =	stream.indirect.gather [hbm4b:s2+s10], $0x80, s13, s10, $0xb8;
	[tilespmem:$0xA800] =	vst v63  }
0x1a: {  	_ =	swait.ge [sflag:s15], $0x1400  }
0x1b: {  	[sflag:s15] =	ssyncset.done $0x0  }
0x1c: {  	[sflag:s15] =	ssyncadd.s32 $0xFFFFEC00  }
0x1d: {  	[hbm4b:s7+s3] =	stream.linear.scatter [tilespmem:s14], [sflag:$0x4], $0x1400, $0x38;
	[tilespmem:$0xA800] =	vst v63  }
0x1e: {  	_ =	swait.ge [sflag:s16], $0x1400  }
0x1f: {  	[sflag:s16] =	ssyncset.done $0x0  }
0x20: {  	s19 =	simm.s32 $0x100;
	[sflag:s16] =	ssyncadd.s32 $0xFFFFEC00  }
0x21: {  	[tilespmem:s11], [sflag:$0x1] =	stream.indirect.gather [hbm4b:s2+s10], $0x80, s19, s10, $0xb8;
	[tilespmem:$0xA800] =	vst v63  }
0x22: {  	_ =	swait.ge [sflag:s12], $0x1400  }
0x23: {  	s20 =	sadd.s32 $0x0, s8;
	[sflag:s12] =	ssyncset.done $0x0  }
0x24: {  	s30 =	sadd.s32 $0x500, s20;
	[sflag:s12] =	ssyncadd.s32 $0xFFFFEC00  }
0x25: {  	[hbm4b:s30+s3] =	stream.linear.scatter [tilespmem:s11], [sflag:$0x3], $0x1400, $0x38;
	[tilespmem:$0xA800] =	vst v63  }
0x26: {  	_ =	swait.ge [sflag:s17], $0x1400  }
0x27: {  	[sflag:s17] =	ssyncset.done $0x0  }
0x28: {  	s31 =	simm.s32 $0x180;
	[sflag:s17] =	ssyncadd.s32 $0xFFFFEC00  }
0x29: {  	[tilespmem:s14], [sflag:$0x2] =	stream.indirect.gather [hbm4b:s2+s10], $0x80, s31, s10, $0xb8;
	[tilespmem:$0xA800] =	vst v63  }
0x2a: {  	_ =	swait.ge [sflag:s15], $0x1400  }
0x2b: {  	s21 =	sadd.s32 $0x780, s20;
	[sflag:s15] =	ssyncset.done $0x0  }
0x2c: {  	s20 =	simm.s32 $0x200;
	s19 =	simm.s32 $0x500;
	[sflag:s15] =	ssyncadd.s32 $0xFFFFEC00  }
.LBB2_2:
0x2d: {  	[hbm4b:s21+s3] =	stream.linear.scatter [tilespmem:s14], [sflag:$0x4], $0x1400, $0x38;
	[tilespmem:$0xA800] =	vst v63  }
0x2e: {  	s21 =	smov.u32 s19  }
0x2f: {  	p0 =	sne.s32 s19, $0x26700;
	s19 =	sadd.s32 $0x500, s19;
	_ =	swait.ge [sflag:s16], $0x1400  }
0x30: {  	[sflag:s16] =	ssyncset.done $0x0  }
0x31: {  	[sflag:s16] =	ssyncadd.s32 $0xFFFFEC00  }
0x32: {  	[tilespmem:s11], [sflag:$0x1] =	stream.indirect.gather [hbm4b:s2+s10], $0x80, s20, s10, $0xb8;
	[tilespmem:$0xA800] =	vst v63  }
0x33: {  	_ =	swait.ge [sflag:s12], $0x1400  }
0x34: {  	s21 =	sadd.s32 s21, s8;
	[sflag:s12] =	ssyncset.done $0x0  }
0x35: {  	s22 =	sadd.s32 $0x500, s21;
	[sflag:s12] =	ssyncadd.s32 $0xFFFFEC00  }
0x36: {  	[hbm4b:s22+s3] =	stream.linear.scatter [tilespmem:s11], [sflag:$0x3], $0x1400, $0x38;
	[tilespmem:$0xA800] =	vst v63  }
0x37: {  	_ =	swait.ge [sflag:s17], $0x1400  }
0x38: {  	[sflag:s17] =	ssyncset.done $0x0  }
.Ltmp0:
0x39: {  	s22 =	sadd.s32 $0x80, s20;
	[sflag:s17] =	ssyncadd.s32 $0xFFFFEC00;
	(pc) =	sbr.rel @p0 .LBB2_2-.Ltmp0, $4  }
0x3a: {  	[tilespmem:s14], [sflag:$0x2] =	stream.indirect.gather [hbm4b:s2+s10], $0x80, s22, s10, $0xb8;
	[tilespmem:$0xA800] =	vst v63  }
0x3b: {  	_ =	swait.ge [sflag:s15], $0x1400  }
0x3c: {  	[sflag:s15] =	ssyncset.done $0x0  }
0x3d: {  	s21 =	sadd.s32 $0x780, s21;
	s20 =	sadd.s32 $0x100, s20;
	[sflag:s15] =	ssyncadd.s32 $0xFFFFEC00  }
0x3e: {  	[hbm4b:s21+s3] =	stream.linear.scatter [tilespmem:s14], [sflag:$0x4], $0x1400, $0x38;
	[tilespmem:$0xA800] =	vst v63  }
0x3f: {  	s18 =	sadd.s32 $0x1, s18  }
0x40: {  	_ =	swait.ge [sflag:s16], $0x1400;
	p0 =	sne.s32 s18, s5  }
.Ltmp1:
0x41: {  	[sflag:s16] =	ssyncset.done $0x0;
	(pc) =	sbr.rel @p0 .LBB2_1-.Ltmp1, $4  }
0x42: {  	[sflag:s16] =	ssyncadd.s32 $0xFFFFEC00  }
0x43: {  	_ =	swait.ge [sflag:s17], $0x1400  }
0x44: {  	[sflag:s17] =	ssyncset.done $0x0  }
0x45: {  	[sflag:s17] =	ssyncadd.s32 $0xFFFFEC00  }
0x46: {  	_ =	sfence.sel $0x180000  }
0x47: {  	[bflag:$0x0] =	sbarrier.arrive $0xFFFF  }
0x48: {  	p0 =	sne.s32 s1, $0x0;
	_ =	strace $0x9000004D  }
0x49: {  	s0 =	sadd.s32 @!p0 $0x100000, s0;
	[bflag:$0x2] =	sbarrier.arrive $0xFFFF  }
0x4a: {  	[sflag:s0] =	ssyncadd.tile.s32 @!p0 $0x1;
	_ =	shalt  }
.Lfunc_end2:
_tile_overlayer_lowered:
.L_overlay_start_2:
0x4b: {  	(tag) =	ssettag $0x2  }
0x4c: {  	s0 =	rddreg [dreg:$0x0];
	s2 =	stileid.u32  }
0x4d: {  	s1 =	rddreg [dreg:$0x1];
	p0 =	sne.s32 s2, $0x0  }
0x4e: {  	s3 =	rddreg [dreg:$0x2];
	[bflag:$0x3] =	sbarrier.arrive $0xFFFF;
	s2 =	simm.s32 @!p0 $0x1C05  }
0x4f: {  	[timem:s3], [sflag:s2] =	dma.local @!p0 [hbm:s0], s1  }
0x50: {  	s0 =	simm.s32 @!p0 $0x5  }
0x51: {  	_ =	swait.ge @!p0 [sflag:s0], s1  }
0x52: {  	s1 =	ssub.s32 @!p0 $0x0, s1;
	[sflag:s0] =	ssyncset.done @!p0 $0x0  }
0x53: {  	[sflag:s0] =	ssyncadd.s32 @!p0 s1  }
0x54: {  	[bflag:$0x3] =	sbarrier.arrive $0xFFFF  }
0x55: {  	_ =	shalt  }

// kernel: kernel.17.cloned.1.call-start
scs
__scs_entry_jumppad:
0x0: {  	(pc) =	sbr.rel $0x88, $3  }
0x1: {  	(tag) =	ssettag $0x0;
	lr =	simm.s32 $0x1  }
0x2: {  	[smem:$0x3F8D] =	sst lr;
	_ =	strace $0xD0000000  }
0x3: {  	_ = 	snop  }
0x4: {  	_ = 	snop  }
0x5: {  	_ = 	snop  }
0x6: {  	_ = 	snop  }
0x7: {  	_ = 	snop  }
__scs_overlays_trampoline_lowered:
0x8: {  	[smem:$0x3F9C] =	sst s0  }
0x9: {  	[smem:$0x3F9D] =	sst s1  }
0xa: {  	[smem:$0x3F9E] =	sst s2  }
0xb: {  	[smem:$0x3F9F] =	sst s3  }
0xc: {  	[smem:$0x3FA0] =	sst s4  }
0xd: {  	[smem:$0x3FA1] =	sst s5  }
0xe: {  	[smem:$0x3FA2] =	sst s6  }
0xf: {  	[smem:$0x3FA3] =	sst s7  }
0x10: {  	[smem:$0x3FA4] =	sst s8  }
0x11: {  	[smem:$0x3FA5] =	sst s9;
	s0 =	simm.s32 @!p0 $0x0  }
0x12: {  	s1 =	sld [smem:$0x3F8B];
	s0 =	simm.s32 @p0 $0x1  }
0x13: {  	[smem:$0x3FA6] =	sst s0;
	s0 =	simm.s32 @!p1 $0x0  }
0x14: {  	s2 =	sld [smem:$0x3F8A];
	s0 =	simm.s32 @p1 $0x1  }
0x15: {  	[smem:$0x3FA7] =	sst s0;
	s0 =	simm.s32 @!p2 $0x0  }
0x16: {  	s3 =	sld [smem:$0x3FDB];
	s0 =	simm.s32 @p2 $0x1  }
0x17: {  	s4 =	simm.s32 $0x1BF5;
	[smem:$0x3FA9] =	sst s0  }
0x18: {  	s0 =	sld [smem:$0x3F8C];
	_ =	swait.ge [sflag:s4], $0x0  }
0x19: {  	s7 =	sld [smem:$0x3F8D]  }
0x1a: {  	s8 =	sadd.s32 $0xFFFFE003, lr  }
0x1b: {  	s9 =	sadd.s32 $0xFFFFFEF7, lr;
	s5 =	simm.s32 $0xFFFFFFFF;
	p2 =	slt.u32 s8, $0xFFFFF086  }
0x1c: {  	p1 =	slt.u32 s9, $0xF7A;
	s5 =	simm.s32 @!p2 $0x0  }
0x1d: {  	s5 =	simm.s32 @p1 $0x1;
	p0 =	seq.s32 s7, s2  }
0x1e: {  	s7 =	smul.u32 @!p0 $0xF7A, s2;
	p2 =	seq.s32 @!p0 s5, $0x0  }
0x1f: {  	s9 =	smul.u32 $0xF7A, s1;
	s8 =	simm.s32 @!p0 $0x1BF5;
	p2 =	por !p2, p0  }
0x20: {  	[sflag:s8] =	ssyncset.s32 @!p0 $0xFFFFF086;
	s6 =	sadd.s32 @!p0 s3, s7;
	s7 =	simm.s32 @!p0 $0x108  }
0x21: {  	s3 =	sadd.s32 s3, s9;
	s6 =	sadd.s32 @!p0 $0x88, s6;
	s7 =	simm.s32 @p2 $0x1082  }
0x22: {  	[simem:s7], [sflag:s8] =	dma.local @!p0 [hbm:s6], $0xF7A  }
0x23: {  	s9 =	sor.u32 $0xD0000000, s2;
	s6 =	simm.s32 $0x108;
	_ =	swait.ge @!p0 [sflag:s8], $0x0  }
0x24: {  	s3 =	sadd.s32 $0x88, s3;
	s6 =	simm.s32 @!p1 $0x1082;
	[sflag:s4] =	ssyncset.s32 $0xFFFFF086  }
0x25: {  	[simem:s6], [sflag:s4] =	dma.local [hbm:s3], $0xF7A  }
0x26: {  	[smem:$0x3F8D] =	sst s1;
	(tag) =	ssettag s2;
	_ =	strace s9  }
0x27: {  	s1 =	sld [smem:$0x3F9D]  }
0x28: {  	s2 =	sld [smem:$0x3F9E]  }
0x29: {  	s4 =	sld [smem:$0x3FA0]  }
0x2a: {  	p0 =	seq.s32 s5, $0x0;
	s5 =	sld [smem:$0x3FA1]  }
0x2b: {  	s6 =	sld [smem:$0x3FA2]  }
0x2c: {  	s7 =	sld [smem:$0x3FA3]  }
0x2d: {  	s3 =	simm.s32 $0x108;
	s8 =	sld [smem:$0x3FA4]  }
0x2e: {  	s3 =	simm.s32 @!p0 $0x1082;
	s9 =	sld [smem:$0x3FA5]  }
0x2f: {  	lr =	sadd.s32 s0, s3;
	s0 =	sld [smem:$0x3F9C]  }
0x30: {  	s3 =	sld [smem:$0x3F9F]  }
0x31: {  	[smem:$0x3FA8] =	sst s10  }
0x32: {  	s10 =	sld [smem:$0x3FA6];
	_ =	sdelay $0x3  }
0x33: {  	p0 =	seq.s32 s10, $0x1;
	s10 =	sld [smem:$0x3FA8];
	_ =	sdelay $0x3  }
0x34: {  	[smem:$0x3FA8] =	sst s10  }
0x35: {  	s10 =	sld [smem:$0x3FA7];
	_ =	sdelay $0x3  }
0x36: {  	p1 =	seq.s32 s10, $0x1;
	s10 =	sld [smem:$0x3FA8];
	_ =	sdelay $0x3  }
0x37: {  	[smem:$0x3FA8] =	sst s10  }
0x38: {  	s10 =	sld [smem:$0x3FA9]  }
0x39: {  	_ = 	snop;
	(pc) =	sbr.ind lr, $3  }
0x3a: {  	_ = 	snop  }
0x3b: {  	_ = 	snop  }
0x3c: {  	p2 =	seq.s32 s10, $0x1;
	s10 =	sld [smem:$0x3FA8]  }
0x3d: {  	_ =	shalt  }
0x3e: {  	_ =	shalt  }
0x3f: {  	_ =	shalt  }
0x40: {  	_ =	shalt  }
0x41: {  	_ =	shalt  }
0x42: {  	_ =	shalt  }
0x43: {  	_ =	shalt  }
0x44: {  	_ =	shalt  }
0x45: {  	_ =	shalt  }
0x46: {  	_ =	shalt  }
0x47: {  	_ =	shalt  }
0x48: {  	_ =	shalt  }
0x49: {  	_ =	shalt  }
0x4a: {  	_ =	shalt  }
0x4b: {  	_ =	shalt  }
0x4c: {  	_ =	shalt  }
0x4d: {  	_ =	shalt  }
0x4e: {  	_ =	shalt  }
0x4f: {  	_ =	shalt  }
0x50: {  	_ =	shalt  }
0x51: {  	_ =	shalt  }
0x52: {  	_ =	shalt  }
0x53: {  	_ =	shalt  }
0x54: {  	_ =	shalt  }
0x55: {  	_ =	shalt  }
0x56: {  	_ =	shalt  }
0x57: {  	_ =	shalt  }
0x58: {  	_ =	shalt  }
0x59: {  	_ =	shalt  }
0x5a: {  	_ =	shalt  }
0x5b: {  	_ =	shalt  }
0x5c: {  	_ =	shalt  }
0x5d: {  	_ =	shalt  }
0x5e: {  	_ =	shalt  }
0x5f: {  	_ =	shalt  }
0x60: {  	_ =	shalt  }
0x61: {  	_ =	shalt  }
0x62: {  	_ =	shalt  }
0x63: {  	_ =	shalt  }
0x64: {  	_ =	shalt  }
0x65: {  	_ =	shalt  }
0x66: {  	_ =	shalt  }
0x67: {  	_ =	shalt  }
0x68: {  	_ =	shalt  }
0x69: {  	_ =	shalt  }
0x6a: {  	_ =	shalt  }
0x6b: {  	_ =	shalt  }
0x6c: {  	_ =	shalt  }
0x6d: {  	_ =	shalt  }
0x6e: {  	_ =	shalt  }
0x6f: {  	_ =	shalt  }
0x70: {  	_ =	shalt  }
0x71: {  	_ =	shalt  }
0x72: {  	_ =	shalt  }
0x73: {  	_ =	shalt  }
0x74: {  	_ =	shalt  }
0x75: {  	_ =	shalt  }
0x76: {  	_ =	shalt  }
0x77: {  	_ =	shalt  }
0x78: {  	_ =	shalt  }
0x79: {  	_ =	shalt  }
0x7a: {  	_ =	shalt  }
0x7b: {  	_ =	shalt  }
0x7c: {  	_ =	shalt  }
0x7d: {  	_ =	shalt  }
0x7e: {  	_ =	shalt  }
0x7f: {  	_ =	shalt  }
0x80: {  	_ =	shalt  }
0x81: {  	_ =	shalt  }
0x82: {  	_ =	shalt  }
0x83: {  	_ =	shalt  }
0x84: {  	_ =	shalt  }
0x85: {  	_ =	shalt  }
0x86: {  	_ =	shalt  }
0x87: {  	_ =	shalt  }
.Lfunc_end0:
.L_simem_size_0:
called_computation.3_lowered:
.L_overlay_start_0:
0x88: {  	s2 =	sld [smem:$0x3FD9]  }
0x89: {  	s3 =	sld [smem:$0x3FFE];
	_ =	sdelay $0x1  }
0x8a: {  	s1 =	srdreg.scid  }
0x8b: {  	s0 =	sand.u32 $0x1, s1  }
0x8c: {  	s14 =	sshll.u32 s0, $0xA;
	s2 =	sadd.s32 s3, s2  }
0x8d: {  	s2 =	sadd.s32 s2, s14  }
0x8e: {  	[smem:$0x3FB4] =	sst s2  }
0x8f: {  	_ = 	snop  }
0x90: {  	s2 =	sld [smem:$0x3FD0];
	_ =	sdelay $0x2  }
0x91: {  	s15 =	simm.s32 $0xA;
	s4 =	simm.s32 $0x10  }
0x92: {  	[smem:s4], [sflag:s15] =	dma.local [hbm:s2], $0x1  }
0x93: {  	_ =	swait.eq [sflag:s15], $0x1  }
0x94: {  	[sflag:s15] =	ssyncset.done $0x0  }
0x95: {  	s16 =	sld [smem:$0x10];
	[sflag:s15] =	ssyncadd.s32 $0xFFFFFFFF  }
0x96: {  	s17 =	sld [smem:$0x13];
	(tm) =	ssettm $0x1  }
0x97: {  	s18 =	sld [smem:$0x3FFB];
	_ =	sdelay $0x3  }
0x98: {  	_ =	strace s18  }
0x99: {  	s4 =	sld [smem:$0x3FFC];
	_ =	sdelay $0x3  }
0x9a: {  	_ =	strace s4  }
0x9b: {  	s4 =	sld [smem:$0x3FFD];
	_ =	sdelay $0x3  }
0x9c: {  	_ =	strace s4  }
0x9d: {  	_ =	strace $0x8FFFFFFF  }
0x9e: {  	s19 =	sld [smem:$0x3FDB];
	_ =	sdelay $0x1  }
0x9f: {  	s5 =	simm.s32 $_scs_section_size  }
0xa0: {  	s6 =	simm.s32 $_size__tile_overlayer_lowered;
	s7 =	simm.s32 $_tile_overlayer_lowered  }
0xa1: {  	s22 =	simm.s32 $0x1BFF;
	s21 =	sshll.u32 s7, $0x1;
	s4 =	sadd.s32 s5, s19  }
0xa2: {  	s8 =	simm.s32 $0x0;
	s20 =	sshll.u32 s6, $0x1;
	s6 =	sadd.s32 s21, s4  }
0xa3: {  	[timem:s8], [sflag:s22] =	dma.local [hbm:s6], s20  }
0xa4: {  	_ =	swait.ge [sflag:s22], s20  }
0xa5: {  	s5 =	ssub.s32 $0x0, s20;
	[sflag:s22] =	ssyncset.done $0x0  }
0xa6: {  	[sflag:s22] =	ssyncadd.s32 s5;
	_ =	sdelay $0x1  }
0xa7: {  	s23 =	simm.s32 $0x1B8B  }
0xa8: {  	_ =	swait.ge [sflag:s23], $0x1  }
0xa9: {  	[sflag:s23] =	ssyncset.done $0x0  }
0xaa: {  	s25 =	simm.s32 $0x1B8E;
	s24 =	sld [smem:$0x3FFE];
	[sflag:s23] =	ssyncadd.s32 $0xFFFFFFFF  }
0xab: {  	s26 =	simm.s32 $execute0_lowered;
	[smem:$0x3FD2] =	sst s25  }
0xac: {  	s6 =	sshll.u32 s26, $0x1;
	_ =	strace $0x8000004F;
	[dreg:$0x1] =	wrdreg $0xFFFFFFFF  }
0xad: {  	s28 =	simm.s32 $_size_execute0_lowered;
	s4 =	sadd.s32 s4, s6;
	[dreg:$0x0] =	wrdreg $0x0  }
0xae: {  	s6 =	sshll.u32 s28, $0x1;
	[dreg:$0x2] =	wrdreg s4  }
0xaf: {  	[dreg:$0x3] =	wrdreg s6  }
0xb0: {  	[dreg:$0x4] =	wrdreg $0xC0  }
0xb1: {  	_ =	task [dreg:s8], $0x5FFFF  }
0xb2: {  	[dreg:$0x1] =	wrdreg $0xFFFFFFFF  }
0xb3: {  	[dreg:$0x0] =	wrdreg $0x60  }
0xb4: {  	[dreg:$0x2] =	wrdreg s17  }
0xb5: {  	[dreg:$0x3] =	wrdreg s24  }
0xb6: {  	[dreg:$0x4] =	wrdreg s16  }
0xb7: {  	[dreg:$0x5] =	wrdreg $0x1000  }
0xb8: {  	[dreg:$0x6] =	wrdreg $0x9  }
0xb9: {  	_ =	task.clear_ibuf [dreg:s8], $0x7FFFF;
	_ =	strace $0x9000004F  }
0xba: {  	s29 =	simm.s32 $0x9;
	_ =	strace $0x80000051  }
0xbb: {  	_ =	swait.ge [sflag:s29], $0x1  }
0xbc: {  	[sflag:s29] =	ssyncadd.s32 $0xFFFFFFFF  }
0xbd: {  	_ =	strace $0x90000051  }
0xbe: {  	_ =	sfence  }
0xbf: {  	s30 =	sld [smem:$0x0];
	_ =	sdelay $0x2  }
0xc0: {  	s31 =	sshll.u32 s1, $0xD;
	s1 =	sshrl.u32 s1, $0x2  }
0xc1: {  	s3 =	sand.u32 $0x4000, s31;
	s1 =	sadd.s32 s1, s30  }
0xc2: {  	s0 =	sor.u32 s3, s0;
	s1 =	sshll.u32 s1, $0x11  }
0xc3: {  	s0 =	sor.u32 s1, s0  }
0xc4: {  	s0 =	sadd.s32 $0x8F2B, s0  }
0xc5: {  	[sflag:s0] =	ssyncadd.remote.s32 $0x1  }
0xc6: {  	_ =	sfence.sel $0xFFFF  }
0xc7: {  	[dreg:$0x0] =	wrdreg $0xFFFFFFFF;
	(pc) =	sbr.abs _section_cstart, $3  }
0xc8: {  	[dreg:$0x1] =	wrdreg $0xFFFFFFFF  }
0xc9: {  	_ =	task.clear_ibuf [dreg:s8], $0x2FFFF;
	_ =	strace $0x9FFFFFFF  }
0xca: {  	(tm) =	ssettm $0x7FFFFFFF  }
0xcb: {  	_ =	shalt  }
tec
execute0_lowered:
.L_overlay_start_1:
0x0: {  	(tag) =	ssettag $0x1  }
0x1: {  	s6 =	rddreg [dreg:$0x0]  }
0x2: {  	s3 =	rddreg [dreg:$0x1]  }
0x3: {  	s0 =	srdreg.scid;
	s4 =	rddreg [dreg:$0x2]  }
0x4: {  	s7 =	stileid.u32;
	s1 =	rddreg [dreg:$0x3];
	s2 =	simm.s32 $0x0  }
0x5: {  	s12 =	simm.s32 $0x0;
	s5 =	sand.u32 $0x1, s0;
	s0 =	rddreg [dreg:$0x4]  }
0x6: {  	s8 =	smul.u32 $0x4E20, s7;
	[smem:$0x7FF] =	sst s2;
	p0 =	sne.s32 s7, $0x0  }
0x7: {  	s9 =	smul.u32 $0x2710, s5;
	s31 =	ssub.s32 $0x2, s5;
	s5 =	sshll.u32 s5, $0x4  }
0x8: {  	_ =	strace $0x80000050;
	s11 =	sshrl.u32 s31, $0x1;
	s4 =	sadd.s32 s4, s5  }
0x9: {  	s8 =	sadd.s32 s9, s8;
	s9 =	ssub.s32 s31, s11;
	s11 =	simm.s32 $0x50  }
0xa: {  	s8 =	sshrl.u32 s8, $0x3;
	s5 =	smax.u32 s9, $0x1;
	s9 =	simm.s32 $0x1  }
0xb: {  	s10 =	sadd.s32 s8, s3;
	s3 =	sadd.s32 $0x4800, s3;
	s6 =	sadd.s32 s8, s6  }
0xc: {  	s8 =	sshrl.u32 @!p0 s1, $0x3;
	s7 =	sadd.s32 $0x52D400, s10;
	s10 =	simm.s32 $0x80  }
.LBB2_1:
0xd: {  	s13 =	simm.s32 @!p0 $0x1C01  }
0xe: {  	[spmem:s8], [sflag:s13] =	dma.local @!p0 [hbm:s3], $0x4F0  }
0xf: {  	s13 =	simm.s32 @!p0 $0x1  }
0x10: {  	_ =	swait.ge @!p0 [sflag:s13], $0x4F0  }
0x11: {  	[sflag:s13] =	ssyncset.done @!p0 $0x0  }
0x12: {  	[sflag:s13] =	ssyncadd.s32 @!p0 $0xFFFFFB10  }
0x13: {  	s30 =	sadd.s32 $0x0, s7;
	[bflag:$0x0] =	sbarrier.arrive $0xFFFF  }
0x14: {  	[tilespmem:s2], [sflag:$0x1] =	stream.linear.gather [hbm4b:s30+s2], $0x50, $0x38;
	[tilespmem:$0x378] =	vst v63  }
0x15: {  	_ =	swait.ge [sflag:s9], $0x50  }
0x16: {  	[sflag:s9] =	ssyncset.done $0x0  }
0x17: {  	s31 =	sadd.s32 $0x0, s6;
	[sflag:s9] =	ssyncadd.s32 $0xFFFFFFB0  }
0x18: {  	[tilespmem:s10], [sflag:$0x1] =	stream.linear.gather [hbm4b:s31+s2], $0x50, $0x38;
	[tilespmem:$0x378] =	vst v63  }
0x19: {  	_ =	swait.ge [sflag:s9], $0x50  }
0x1a: {  	[sflag:s9] =	ssyncset.done $0x0  }
0x1b: {  	[sflag:s9] =	ssyncadd.s32 $0xFFFFFFB0  }
0x1c: {  	[spmem:s1] =	stream.indirect.scatter.add.f32 [tilespmem:s10], [sflag:$0x1], $0x1, s2, s11, $0xb8;
	[tilespmem:$0x378] =	vst v63  }
0x1d: {  	_ =	swait.ge [sflag:s9], $0x50  }
0x1e: {  	s14 =	simm.s32 $0x14;
	s13 =	simm.s32 $0xA;
	[sflag:s9] =	ssyncset.done $0x0  }
.LBB2_2:
0x1f: {  	s15 =	sadd.s32 s13, s7  }
0x20: {  	[sflag:s9] =	ssyncadd.s32 $0xFFFFFFB0;
	s16 =	smov.u32 s14;
	s17 =	sadd.s32 $0xA, s14  }
0x21: {  	[tilespmem:s2], [sflag:$0x1] =	stream.linear.gather [hbm4b:s15+s2], $0x50, $0x38;
	[tilespmem:$0x378] =	vst v63  }
0x22: {  	p1 =	sne.s32 s14, $0x4D8;
	_ =	swait.ge [sflag:s9], $0x50  }
0x23: {  	[sflag:s9] =	ssyncset.done $0x0  }
0x24: {  	s14 =	sadd.s32 s13, s6;
	s13 =	smov.u32 s16;
	[sflag:s9] =	ssyncadd.s32 $0xFFFFFFB0  }
0x25: {  	[tilespmem:s10], [sflag:$0x1] =	stream.linear.gather [hbm4b:s14+s2], $0x50, $0x38;
	[tilespmem:$0x378] =	vst v63  }
0x26: {  	_ =	swait.ge [sflag:s9], $0x50  }
.Ltmp0:
0x27: {  	[sflag:s9] =	ssyncset.done $0x0;
	(pc) =	sbr.rel @p1 .LBB2_2-.Ltmp0, $4  }
0x28: {  	[sflag:s9] =	ssyncadd.s32 $0xFFFFFFB0  }
0x29: {  	[spmem:s1] =	stream.indirect.scatter.add.f32 [tilespmem:s10], [sflag:$0x1], $0x1, s2, s11, $0xb8;
	[tilespmem:$0x378] =	vst v63  }
0x2a: {  	_ =	swait.ge [sflag:s9], $0x50  }
0x2b: {  	s14 =	smov.u32 s17;
	[sflag:s9] =	ssyncset.done $0x0  }
0x2c: {  	s14 =	sadd.s32 s13, s7;
	[sflag:s9] =	ssyncadd.s32 $0xFFFFFFB0  }
0x2d: {  	[tilespmem:s2], [sflag:$0x1] =	stream.linear.gather [hbm4b:s14+s2], $0x50, $0x38;
	[tilespmem:$0x378] =	vst v63  }
0x2e: {  	_ =	swait.ge [sflag:s9], $0x50  }
0x2f: {  	[sflag:s9] =	ssyncset.done $0x0  }
0x30: {  	s31 =	sadd.s32 s13, s6;
	[sflag:s9] =	ssyncadd.s32 $0xFFFFFFB0  }
0x31: {  	[tilespmem:s10], [sflag:$0x1] =	stream.linear.gather [hbm4b:s31+s2], $0x50, $0x38;
	[tilespmem:$0x378] =	vst v63  }
0x32: {  	_ =	swait.ge [sflag:s9], $0x50  }
0x33: {  	[sflag:s9] =	ssyncset.done $0x0  }
0x34: {  	[sflag:s9] =	ssyncadd.s32 $0xFFFFFFB0  }
0x35: {  	[spmem:s1] =	stream.indirect.scatter.add.f32 [tilespmem:s10], [sflag:$0x1], $0x1, s2, s11, $0xb8;
	[tilespmem:$0x378] =	vst v63  }
0x36: {  	s13 =	simm.s32 @!p0 $0x1;
	_ =	swait.ge [sflag:s9], $0x50  }
0x37: {  	s15 =	simm.s32 @!p0 $0x10;
	s12 =	sadd.s32 $0x1, s12;
	[sflag:s9] =	ssyncset.done $0x0  }
0x38: {  	s16 =	simm.s32 @!p0 $0x1C01;
	p1 =	sne.s32 s12, s5;
	[sflag:s9] =	ssyncadd.s32 $0xFFFFFFB0  }
.Ltmp1:
0x39: {  	s14 =	simm.s32 @!p0 $0x20;
	[bflag:$0x0] =	sbarrier.arrive $0xFFFF;
	(pc) =	sbr.rel @p1 .LBB2_1-.Ltmp1, $4  }
0x3a: {  	[hbm:s4@s14], [sflag:s16] =	dma.strided @!p0 [spmem:s8@s15], $0x4F0, s13, $0x10   }
0x3b: {  	_ =	swait.ge @!p0 [sflag:s13], $0x4F0  }
0x3c: {  	[sflag:s13] =	ssyncset.done @!p0 $0x0  }
0x3d: {  	[sflag:s13] =	ssyncadd.s32 @!p0 $0xFFFFFB10  }
0x3e: {  	_ =	sfence.sel $0x180000  }
0x3f: {  	[bflag:$0x0] =	sbarrier.arrive $0xFFFF  }
0x40: {  	_ =	strace $0x90000050  }
0x41: {  	s0 =	sadd.s32 @!p0 $0x100000, s0;
	[bflag:$0x2] =	sbarrier.arrive $0xFFFF  }
0x42: {  	[sflag:s0] =	ssyncadd.tile.s32 @!p0 $0x1;
	_ =	shalt  }
.Lfunc_end2:
_tile_overlayer_lowered:
.L_overlay_start_2:
0x43: {  	(tag) =	ssettag $0x2  }
0x44: {  	s0 =	rddreg [dreg:$0x0];
	s2 =	stileid.u32  }
0x45: {  	s1 =	rddreg [dreg:$0x1];
	p0 =	sne.s32 s2, $0x0  }
0x46: {  	s3 =	rddreg [dreg:$0x2];
	[bflag:$0x3] =	sbarrier.arrive $0xFFFF;
	s2 =	simm.s32 @!p0 $0x1C01  }
0x47: {  	[timem:s3], [sflag:s2] =	dma.local @!p0 [hbm:s0], s1  }
0x48: {  	s0 =	simm.s32 @!p0 $0x1  }
0x49: {  	_ =	swait.ge @!p0 [sflag:s0], s1  }
0x4a: {  	s1 =	ssub.s32 @!p0 $0x0, s1;
	[sflag:s0] =	ssyncset.done @!p0 $0x0  }
0x4b: {  	[sflag:s0] =	ssyncadd.s32 @!p0 s1  }
0x4c: {  	[bflag:$0x3] =	sbarrier.arrive $0xFFFF  }
0x4d: {  	_ =	shalt  }

// kernel: kernel.8.cloned.1.call-start
scs
__scs_entry_jumppad:
0x0: {  	(pc) =	sbr.rel $0x88, $3  }
0x1: {  	(tag) =	ssettag $0x0;
	lr =	simm.s32 $0x1  }
0x2: {  	[smem:$0x3F8D] =	sst lr;
	_ =	strace $0xD0000000  }
0x3: {  	_ = 	snop  }
0x4: {  	_ = 	snop  }
0x5: {  	_ = 	snop  }
0x6: {  	_ = 	snop  }
0x7: {  	_ = 	snop  }
__scs_overlays_trampoline_lowered:
0x8: {  	[smem:$0x3F9C] =	sst s0  }
0x9: {  	[smem:$0x3F9D] =	sst s1  }
0xa: {  	[smem:$0x3F9E] =	sst s2  }
0xb: {  	[smem:$0x3F9F] =	sst s3  }
0xc: {  	[smem:$0x3FA0] =	sst s4  }
0xd: {  	[smem:$0x3FA1] =	sst s5  }
0xe: {  	[smem:$0x3FA2] =	sst s6  }
0xf: {  	[smem:$0x3FA3] =	sst s7  }
0x10: {  	[smem:$0x3FA4] =	sst s8  }
0x11: {  	[smem:$0x3FA5] =	sst s9;
	s0 =	simm.s32 @!p0 $0x0  }
0x12: {  	s1 =	sld [smem:$0x3F8B];
	s0 =	simm.s32 @p0 $0x1  }
0x13: {  	[smem:$0x3FA6] =	sst s0;
	s0 =	simm.s32 @!p1 $0x0  }
0x14: {  	s2 =	sld [smem:$0x3F8A];
	s0 =	simm.s32 @p1 $0x1  }
0x15: {  	[smem:$0x3FA7] =	sst s0;
	s0 =	simm.s32 @!p2 $0x0  }
0x16: {  	s3 =	sld [smem:$0x3FDB];
	s0 =	simm.s32 @p2 $0x1  }
0x17: {  	s4 =	simm.s32 $0x1BF5;
	[smem:$0x3FA9] =	sst s0  }
0x18: {  	s0 =	sld [smem:$0x3F8C];
	_ =	swait.ge [sflag:s4], $0x0  }
0x19: {  	s7 =	sld [smem:$0x3F8D]  }
0x1a: {  	s8 =	sadd.s32 $0xFFFFE003, lr  }
0x1b: {  	s9 =	sadd.s32 $0xFFFFFEF7, lr;
	s5 =	simm.s32 $0xFFFFFFFF;
	p2 =	slt.u32 s8, $0xFFFFF086  }
0x1c: {  	p1 =	slt.u32 s9, $0xF7A;
	s5 =	simm.s32 @!p2 $0x0  }
0x1d: {  	s5 =	simm.s32 @p1 $0x1;
	p0 =	seq.s32 s7, s2  }
0x1e: {  	s7 =	smul.u32 @!p0 $0xF7A, s2;
	p2 =	seq.s32 @!p0 s5, $0x0  }
0x1f: {  	s9 =	smul.u32 $0xF7A, s1;
	s8 =	simm.s32 @!p0 $0x1BF5;
	p2 =	por !p2, p0  }
0x20: {  	[sflag:s8] =	ssyncset.s32 @!p0 $0xFFFFF086;
	s6 =	sadd.s32 @!p0 s3, s7;
	s7 =	simm.s32 @!p0 $0x108  }
0x21: {  	s3 =	sadd.s32 s3, s9;
	s6 =	sadd.s32 @!p0 $0x88, s6;
	s7 =	simm.s32 @p2 $0x1082  }
0x22: {  	[simem:s7], [sflag:s8] =	dma.local @!p0 [hbm:s6], $0xF7A  }
0x23: {  	s9 =	sor.u32 $0xD0000000, s2;
	s6 =	simm.s32 $0x108;
	_ =	swait.ge @!p0 [sflag:s8], $0x0  }
0x24: {  	s3 =	sadd.s32 $0x88, s3;
	s6 =	simm.s32 @!p1 $0x1082;
	[sflag:s4] =	ssyncset.s32 $0xFFFFF086  }
0x25: {  	[simem:s6], [sflag:s4] =	dma.local [hbm:s3], $0xF7A  }
0x26: {  	[smem:$0x3F8D] =	sst s1;
	(tag) =	ssettag s2;
	_ =	strace s9  }
0x27: {  	s1 =	sld [smem:$0x3F9D]  }
0x28: {  	s2 =	sld [smem:$0x3F9E]  }
0x29: {  	s4 =	sld [smem:$0x3FA0]  }
0x2a: {  	p0 =	seq.s32 s5, $0x0;
	s5 =	sld [smem:$0x3FA1]  }
0x2b: {  	s6 =	sld [smem:$0x3FA2]  }
0x2c: {  	s7 =	sld [smem:$0x3FA3]  }
0x2d: {  	s3 =	simm.s32 $0x108;
	s8 =	sld [smem:$0x3FA4]  }
0x2e: {  	s3 =	simm.s32 @!p0 $0x1082;
	s9 =	sld [smem:$0x3FA5]  }
0x2f: {  	lr =	sadd.s32 s0, s3;
	s0 =	sld [smem:$0x3F9C]  }
0x30: {  	s3 =	sld [smem:$0x3F9F]  }
0x31: {  	[smem:$0x3FA8] =	sst s10  }
0x32: {  	s10 =	sld [smem:$0x3FA6];
	_ =	sdelay $0x3  }
0x33: {  	p0 =	seq.s32 s10, $0x1;
	s10 =	sld [smem:$0x3FA8];
	_ =	sdelay $0x3  }
0x34: {  	[smem:$0x3FA8] =	sst s10  }
0x35: {  	s10 =	sld [smem:$0x3FA7];
	_ =	sdelay $0x3  }
0x36: {  	p1 =	seq.s32 s10, $0x1;
	s10 =	sld [smem:$0x3FA8];
	_ =	sdelay $0x3  }
0x37: {  	[smem:$0x3FA8] =	sst s10  }
0x38: {  	s10 =	sld [smem:$0x3FA9]  }
0x39: {  	_ = 	snop;
	(pc) =	sbr.ind lr, $3  }
0x3a: {  	_ = 	snop  }
0x3b: {  	_ = 	snop  }
0x3c: {  	p2 =	seq.s32 s10, $0x1;
	s10 =	sld [smem:$0x3FA8]  }
0x3d: {  	_ =	shalt  }
0x3e: {  	_ =	shalt  }
0x3f: {  	_ =	shalt  }
0x40: {  	_ =	shalt  }
0x41: {  	_ =	shalt  }
0x42: {  	_ =	shalt  }
0x43: {  	_ =	shalt  }
0x44: {  	_ =	shalt  }
0x45: {  	_ =	shalt  }
0x46: {  	_ =	shalt  }
0x47: {  	_ =	shalt  }
0x48: {  	_ =	shalt  }
0x49: {  	_ =	shalt  }
0x4a: {  	_ =	shalt  }
0x4b: {  	_ =	shalt  }
0x4c: {  	_ =	shalt  }
0x4d: {  	_ =	shalt  }
0x4e: {  	_ =	shalt  }
0x4f: {  	_ =	shalt  }
0x50: {  	_ =	shalt  }
0x51: {  	_ =	shalt  }
0x52: {  	_ =	shalt  }
0x53: {  	_ =	shalt  }
0x54: {  	_ =	shalt  }
0x55: {  	_ =	shalt  }
0x56: {  	_ =	shalt  }
0x57: {  	_ =	shalt  }
0x58: {  	_ =	shalt  }
0x59: {  	_ =	shalt  }
0x5a: {  	_ =	shalt  }
0x5b: {  	_ =	shalt  }
0x5c: {  	_ =	shalt  }
0x5d: {  	_ =	shalt  }
0x5e: {  	_ =	shalt  }
0x5f: {  	_ =	shalt  }
0x60: {  	_ =	shalt  }
0x61: {  	_ =	shalt  }
0x62: {  	_ =	shalt  }
0x63: {  	_ =	shalt  }
0x64: {  	_ =	shalt  }
0x65: {  	_ =	shalt  }
0x66: {  	_ =	shalt  }
0x67: {  	_ =	shalt  }
0x68: {  	_ =	shalt  }
0x69: {  	_ =	shalt  }
0x6a: {  	_ =	shalt  }
0x6b: {  	_ =	shalt  }
0x6c: {  	_ =	shalt  }
0x6d: {  	_ =	shalt  }
0x6e: {  	_ =	shalt  }
0x6f: {  	_ =	shalt  }
0x70: {  	_ =	shalt  }
0x71: {  	_ =	shalt  }
0x72: {  	_ =	shalt  }
0x73: {  	_ =	shalt  }
0x74: {  	_ =	shalt  }
0x75: {  	_ =	shalt  }
0x76: {  	_ =	shalt  }
0x77: {  	_ =	shalt  }
0x78: {  	_ =	shalt  }
0x79: {  	_ =	shalt  }
0x7a: {  	_ =	shalt  }
0x7b: {  	_ =	shalt  }
0x7c: {  	_ =	shalt  }
0x7d: {  	_ =	shalt  }
0x7e: {  	_ =	shalt  }
0x7f: {  	_ =	shalt  }
0x80: {  	_ =	shalt  }
0x81: {  	_ =	shalt  }
0x82: {  	_ =	shalt  }
0x83: {  	_ =	shalt  }
0x84: {  	_ =	shalt  }
0x85: {  	_ =	shalt  }
0x86: {  	_ =	shalt  }
0x87: {  	_ =	shalt  }
.Lfunc_end0:
.L_simem_size_0:
called_computation_lowered:
.L_overlay_start_0:
0x88: {  	s2 =	sld [smem:$0x3FD9]  }
0x89: {  	s3 =	sld [smem:$0x3FFE];
	_ =	sdelay $0x1  }
0x8a: {  	s1 =	srdreg.scid  }
0x8b: {  	s0 =	sand.u32 $0x1, s1  }
0x8c: {  	s14 =	sshll.u32 s0, $0xA;
	s2 =	sadd.s32 s3, s2  }
0x8d: {  	s2 =	sadd.s32 s2, s14  }
0x8e: {  	[smem:$0x3FB4] =	sst s2  }
0x8f: {  	_ = 	snop  }
0x90: {  	s2 =	sld [smem:$0x3FD0];
	_ =	sdelay $0x2  }
0x91: {  	s15 =	simm.s32 $0xA;
	s4 =	simm.s32 $0x10  }
0x92: {  	[smem:s4], [sflag:s15] =	dma.local [hbm:s2], $0x1  }
0x93: {  	_ =	swait.eq [sflag:s15], $0x1  }
0x94: {  	[sflag:s15] =	ssyncset.done $0x0  }
0x95: {  	[sflag:s15] =	ssyncadd.s32 $0xFFFFFFFF  }
0x96: {  	s16 =	sld [smem:$0x10];
	(tm) =	ssettm $0x1  }
0x97: {  	s17 =	sld [smem:$0x3FFB];
	_ =	sdelay $0x3  }
0x98: {  	_ =	strace s17  }
0x99: {  	s3 =	sld [smem:$0x3FFC];
	_ =	sdelay $0x3  }
0x9a: {  	_ =	strace s3  }
0x9b: {  	s3 =	sld [smem:$0x3FFD];
	_ =	sdelay $0x3  }
0x9c: {  	_ =	strace s3  }
0x9d: {  	_ =	strace $0x8FFFFFFF  }
0x9e: {  	s18 =	sld [smem:$0x3FDB];
	_ =	sdelay $0x1  }
0x9f: {  	s19 =	simm.s32 $_scs_section_size  }
0xa0: {  	s5 =	simm.s32 $_size__tile_overlayer_lowered;
	s6 =	simm.s32 $_tile_overlayer_lowered  }
0xa1: {  	s22 =	simm.s32 $0x1BFF;
	s21 =	sshll.u32 s6, $0x1;
	s3 =	sadd.s32 s19, s18  }
0xa2: {  	s7 =	simm.s32 $0x0;
	s20 =	sshll.u32 s5, $0x1;
	s5 =	sadd.s32 s21, s3  }
0xa3: {  	[timem:s7], [sflag:s22] =	dma.local [hbm:s5], s20  }
0xa4: {  	_ =	swait.ge [sflag:s22], s20  }
0xa5: {  	s4 =	ssub.s32 $0x0, s20;
	[sflag:s22] =	ssyncset.done $0x0  }
0xa6: {  	[sflag:s22] =	ssyncadd.s32 s4;
	_ =	sdelay $0x1  }
0xa7: {  	s23 =	simm.s32 $0x1B8B  }
0xa8: {  	_ =	swait.ge [sflag:s23], $0x1  }
0xa9: {  	[sflag:s23] =	ssyncset.done $0x0  }
0xaa: {  	s25 =	simm.s32 $0x1B8E;
	s24 =	sld [smem:$0x3FFE];
	[sflag:s23] =	ssyncadd.s32 $0xFFFFFFFF  }
0xab: {  	s26 =	simm.s32 $execute0_lowered;
	[smem:$0x3FD2] =	sst s25  }
0xac: {  	s5 =	sshll.u32 s26, $0x1;
	_ =	strace $0x80000046;
	[dreg:$0x1] =	wrdreg $0xFFFFFFFF  }
0xad: {  	s28 =	simm.s32 $_size_execute0_lowered;
	s3 =	sadd.s32 s3, s5;
	[dreg:$0x0] =	wrdreg $0x0  }
0xae: {  	s5 =	sshll.u32 s28, $0x1;
	[dreg:$0x2] =	wrdreg s3  }
0xaf: {  	[dreg:$0x3] =	wrdreg s5  }
0xb0: {  	[dreg:$0x4] =	wrdreg $0xC0  }
0xb1: {  	_ =	task [dreg:s7], $0x5FFFF  }
0xb2: {  	[dreg:$0x1] =	wrdreg $0xFFFFFFFF  }
0xb3: {  	[dreg:$0x0] =	wrdreg $0x60  }
0xb4: {  	[dreg:$0x2] =	wrdreg s16  }
0xb5: {  	[dreg:$0x3] =	wrdreg s24  }
0xb6: {  	[dreg:$0x4] =	wrdreg $0x9  }
0xb7: {  	_ =	task.clear_ibuf [dreg:s7], $0x5FFFF;
	_ =	strace $0x90000046  }
0xb8: {  	s29 =	simm.s32 $0x9;
	_ =	strace $0x80000048  }
0xb9: {  	_ =	swait.ge [sflag:s29], $0x1  }
0xba: {  	[sflag:s29] =	ssyncadd.s32 $0xFFFFFFFF  }
0xbb: {  	_ =	strace $0x90000048  }
0xbc: {  	_ =	sfence  }
0xbd: {  	s30 =	sld [smem:$0x0];
	_ =	sdelay $0x2  }
0xbe: {  	s31 =	sshll.u32 s1, $0xD;
	s1 =	sshrl.u32 s1, $0x2  }
0xbf: {  	s3 =	sand.u32 $0x4000, s31;
	s1 =	sadd.s32 s1, s30  }
0xc0: {  	s0 =	sor.u32 s3, s0;
	s1 =	sshll.u32 s1, $0x11  }
0xc1: {  	s0 =	sor.u32 s1, s0  }
0xc2: {  	s0 =	sadd.s32 $0x8F2B, s0  }
0xc3: {  	[sflag:s0] =	ssyncadd.remote.s32 $0x1  }
0xc4: {  	_ =	sfence.sel $0xFFFF  }
0xc5: {  	[dreg:$0x0] =	wrdreg $0xFFFFFFFF;
	(pc) =	sbr.abs _section_cstart, $3  }
0xc6: {  	[dreg:$0x1] =	wrdreg $0xFFFFFFFF  }
0xc7: {  	_ =	task.clear_ibuf [dreg:s7], $0x2FFFF;
	_ =	strace $0x9FFFFFFF  }
0xc8: {  	(tm) =	ssettm $0x7FFFFFFF  }
0xc9: {  	_ =	shalt  }
tec
execute0_lowered:
.L_overlay_start_1:
0x0: {  	(tag) =	ssettag $0x1  }
0x1: {  	s2 =	rddreg [dreg:$0x0]  }
0x2: {  	s4 =	rddreg [dreg:$0x1]  }
0x3: {  	s0 =	rddreg [dreg:$0x2]  }
0x4: {  	s5 =	srdreg.scid;
	s1 =	stileid.u32;
	s3 =	simm.s32 $0x0  }
0x5: {  	s12 =	simm.s32 $0x1;
	s13 =	simm.s32 $0x80;
	s14 =	simm.s32 $0x9400  }
0x6: {  	s15 =	simm.s32 $0x2;
	s16 =	simm.s32 $0x3;
	s17 =	simm.s32 $0x4  }
0x7: {  	s18 =	simm.s32 $0x0;
	s5 =	sand.u32 $0x1, s5;
	s6 =	sshll.u32 s1, $0x1  }
0x8: {  	[smem:$0x7FF] =	sst s3;
	s9 =	sadd.s32 $0x4B400, s4;
	s10 =	smul.u32 $0x4E200, s1  }
0x9: {  	s6 =	sor.u32 s5, s6;
	_ =	strace $0x80000047;
	s11 =	smul.u32 $0x27100, s5  }
0xa: {  	s8 =	ssub.s32 $0x2, s5;
	s7 =	sshll.u32 s6, $0xC;
	s6 =	smul.u32 $0x27100, s6  }
0xb: {  	s30 =	sshrl.u32 s8, $0x1;
	s31 =	sadd.s32 s10, s9;
	s7 =	sadd.s32 s7, s4  }
0xc: {  	s10 =	simm.s32 $0x28;
	s8 =	ssub.s32 s8, s30;
	s4 =	sadd.s32 $0x2B400, s7  }
0xd: {  	s5 =	smax.u32 s8, $0x1;
	s6 =	sadd.s32 s9, s6;
	s8 =	sadd.s32 s11, s31  }
0xe: {  	s9 =	simm.s32 $0x5;
	s11 =	simm.s32 $0x8000;
	s7 =	sadd.s32 $0x280, s6  }
.LBB2_1:
0xf: {  	[tilespmem:s3], [sflag:$0x5] =	stream.linear.gather [hbm4b:s4+s3], $0x7D00, $0x38;
	[tilespmem:$0xA800] =	vst v63  }
0x10: {  	_ =	swait.ge [sflag:s9], $0x7D00  }
0x11: {  	[sflag:s9] =	ssyncset.done $0x0  }
0x12: {  	[sflag:s9] =	ssyncadd.s32 $0xFFFF8300  }
0x13: {  	[tilespmem:s11], [sflag:$0x1] =	stream.indirect.gather [hbm4b:s2+s10], $0x80, s3, s10, $0xb8;
	[tilespmem:$0xA800] =	vst v63  }
0x14: {  	_ =	swait.ge [sflag:s12], $0x1400  }
0x15: {  	[sflag:s12] =	ssyncset.done $0x0  }
0x16: {  	[sflag:s12] =	ssyncadd.s32 $0xFFFFEC00  }
0x17: {  	[hbm4b:s6+s3] =	stream.linear.scatter [tilespmem:s11], [sflag:$0x3], $0x1400, $0x38;
	[tilespmem:$0xA800] =	vst v63  }
0x18: {  	_ = 	snop  }
0x19: {  	[tilespmem:s14], [sflag:$0x2] =	stream.indirect.gather [hbm4b:s2+s10], $0x80, s13, s10, $0xb8;
	[tilespmem:$0xA800] =	vst v63  }
0x1a: {  	_ =	swait.ge [sflag:s15], $0x1400  }
0x1b: {  	[sflag:s15] =	ssyncset.done $0x0  }
0x1c: {  	[sflag:s15] =	ssyncadd.s32 $0xFFFFEC00  }
0x1d: {  	[hbm4b:s7+s3] =	stream.linear.scatter [tilespmem:s14], [sflag:$0x4], $0x1400, $0x38;
	[tilespmem:$0xA800] =	vst v63  }
0x1e: {  	_ =	swait.ge [sflag:s16], $0x1400  }
0x1f: {  	[sflag:s16] =	ssyncset.done $0x0  }
0x20: {  	s19 =	simm.s32 $0x100;
	[sflag:s16] =	ssyncadd.s32 $0xFFFFEC00  }
0x21: {  	[tilespmem:s11], [sflag:$0x1] =	stream.indirect.gather [hbm4b:s2+s10], $0x80, s19, s10, $0xb8;
	[tilespmem:$0xA800] =	vst v63  }
0x22: {  	_ =	swait.ge [sflag:s12], $0x1400  }
0x23: {  	s20 =	sadd.s32 $0x0, s8;
	[sflag:s12] =	ssyncset.done $0x0  }
0x24: {  	s30 =	sadd.s32 $0x500, s20;
	[sflag:s12] =	ssyncadd.s32 $0xFFFFEC00  }
0x25: {  	[hbm4b:s30+s3] =	stream.linear.scatter [tilespmem:s11], [sflag:$0x3], $0x1400, $0x38;
	[tilespmem:$0xA800] =	vst v63  }
0x26: {  	_ =	swait.ge [sflag:s17], $0x1400  }
0x27: {  	[sflag:s17] =	ssyncset.done $0x0  }
0x28: {  	s31 =	simm.s32 $0x180;
	[sflag:s17] =	ssyncadd.s32 $0xFFFFEC00  }
0x29: {  	[tilespmem:s14], [sflag:$0x2] =	stream.indirect.gather [hbm4b:s2+s10], $0x80, s31, s10, $0xb8;
	[tilespmem:$0xA800] =	vst v63  }
0x2a: {  	_ =	swait.ge [sflag:s15], $0x1400  }
0x2b: {  	s21 =	sadd.s32 $0x780, s20;
	[sflag:s15] =	ssyncset.done $0x0  }
0x2c: {  	s20 =	simm.s32 $0x200;
	s19 =	simm.s32 $0x500;
	[sflag:s15] =	ssyncadd.s32 $0xFFFFEC00  }
.LBB2_2:
0x2d: {  	[hbm4b:s21+s3] =	stream.linear.scatter [tilespmem:s14], [sflag:$0x4], $0x1400, $0x38;
	[tilespmem:$0xA800] =	vst v63  }
0x2e: {  	s21 =	smov.u32 s19  }
0x2f: {  	p0 =	sne.s32 s19, $0x26700;
	s19 =	sadd.s32 $0x500, s19;
	_ =	swait.ge [sflag:s16], $0x1400  }
0x30: {  	[sflag:s16] =	ssyncset.done $0x0  }
0x31: {  	[sflag:s16] =	ssyncadd.s32 $0xFFFFEC00  }
0x32: {  	[tilespmem:s11], [sflag:$0x1] =	stream.indirect.gather [hbm4b:s2+s10], $0x80, s20, s10, $0xb8;
	[tilespmem:$0xA800] =	vst v63  }
0x33: {  	_ =	swait.ge [sflag:s12], $0x1400  }
0x34: {  	s21 =	sadd.s32 s21, s8;
	[sflag:s12] =	ssyncset.done $0x0  }
0x35: {  	s22 =	sadd.s32 $0x500, s21;
	[sflag:s12] =	ssyncadd.s32 $0xFFFFEC00  }
0x36: {  	[hbm4b:s22+s3] =	stream.linear.scatter [tilespmem:s11], [sflag:$0x3], $0x1400, $0x38;
	[tilespmem:$0xA800] =	vst v63  }
0x37: {  	_ =	swait.ge [sflag:s17], $0x1400  }
0x38: {  	[sflag:s17] =	ssyncset.done $0x0  }
.Ltmp0:
0x39: {  	s22 =	sadd.s32 $0x80, s20;
	[sflag:s17] =	ssyncadd.s32 $0xFFFFEC00;
	(pc) =	sbr.rel @p0 .LBB2_2-.Ltmp0, $4  }
0x3a: {  	[tilespmem:s14], [sflag:$0x2] =	stream.indirect.gather [hbm4b:s2+s10], $0x80, s22, s10, $0xb8;
	[tilespmem:$0xA800] =	vst v63  }
0x3b: {  	_ =	swait.ge [sflag:s15], $0x1400  }
0x3c: {  	[sflag:s15] =	ssyncset.done $0x0  }
0x3d: {  	s21 =	sadd.s32 $0x780, s21;
	s20 =	sadd.s32 $0x100, s20;
	[sflag:s15] =	ssyncadd.s32 $0xFFFFEC00  }
0x3e: {  	[hbm4b:s21+s3] =	stream.linear.scatter [tilespmem:s14], [sflag:$0x4], $0x1400, $0x38;
	[tilespmem:$0xA800] =	vst v63  }
0x3f: {  	s18 =	sadd.s32 $0x1, s18  }
0x40: {  	_ =	swait.ge [sflag:s16], $0x1400;
	p0 =	sne.s32 s18, s5  }
.Ltmp1:
0x41: {  	[sflag:s16] =	ssyncset.done $0x0;
	(pc) =	sbr.rel @p0 .LBB2_1-.Ltmp1, $4  }
0x42: {  	[sflag:s16] =	ssyncadd.s32 $0xFFFFEC00  }
0x43: {  	_ =	swait.ge [sflag:s17], $0x1400  }
0x44: {  	[sflag:s17] =	ssyncset.done $0x0  }
0x45: {  	[sflag:s17] =	ssyncadd.s32 $0xFFFFEC00  }
0x46: {  	_ =	sfence.sel $0x180000  }
0x47: {  	[bflag:$0x0] =	sbarrier.arrive $0xFFFF  }
0x48: {  	p0 =	sne.s32 s1, $0x0;
	_ =	strace $0x90000047  }
0x49: {  	s0 =	sadd.s32 @!p0 $0x100000, s0;
	[bflag:$0x2] =	sbarrier.arrive $0xFFFF  }
0x4a: {  	[sflag:s0] =	ssyncadd.tile.s32 @!p0 $0x1;
	_ =	shalt  }
.Lfunc_end2:
_tile_overlayer_lowered:
.L_overlay_start_2:
0x4b: {  	(tag) =	ssettag $0x2  }
0x4c: {  	s0 =	rddreg [dreg:$0x0];
	s2 =	stileid.u32  }
0x4d: {  	s1 =	rddreg [dreg:$0x1];
	p0 =	sne.s32 s2, $0x0  }
0x4e: {  	s3 =	rddreg [dreg:$0x2];
	[bflag:$0x3] =	sbarrier.arrive $0xFFFF;
	s2 =	simm.s32 @!p0 $0x1C05  }
0x4f: {  	[timem:s3], [sflag:s2] =	dma.local @!p0 [hbm:s0], s1  }
0x50: {  	s0 =	simm.s32 @!p0 $0x5  }
0x51: {  	_ =	swait.ge @!p0 [sflag:s0], s1  }
0x52: {  	s1 =	ssub.s32 @!p0 $0x0, s1;
	[sflag:s0] =	ssyncset.done @!p0 $0x0  }
0x53: {  	[sflag:s0] =	ssyncadd.s32 @!p0 s1  }
0x54: {  	[bflag:$0x3] =	sbarrier.arrive $0xFFFF  }
0x55: {  	_ =	shalt  }

</sc_bundles>
